<compile_context>
chip_gen: v7x
topology: tpu7x:2x2x1
jax: 0.10.2.dev20260603
libtpu: 0.0.44.dev20260713+nightly
codegen_flags: <defaults>
</compile_context>

<pallas_src>
import functools

import jax
import jax.numpy as jnp
from jax import lax
from jax.experimental import pallas as pl
from jax.experimental.pallas import tpu as pltpu
from jax.experimental.pallas import tpu_sc as plsc

D_MODEL = 128
CHUNK = 128
NBUF = 5
K = 2


@functools.cache
def _build(n_tokens: int, d: int):
    info = plsc.get_sparse_core_info()
    nc, ns = info.num_cores, info.num_subcores
    nw = nc * ns
    assert n_tokens % (nw * CHUNK) == 0
    b_per_w = n_tokens // nw
    n_chunks = b_per_w // CHUNK
    assert n_chunks % NBUF == 0 and n_chunks >= 2 * NBUF

    mesh = plsc.VectorSubcoreMesh(core_axis_name="c", subcore_axis_name="s")

    @functools.partial(
        pl.kernel,
        out_type=(
            jax.ShapeDtypeStruct((n_tokens, d), jnp.float32),
            jax.ShapeDtypeStruct((n_tokens, d), jnp.float32),
        ),
        mesh=mesh,
        scratch_types=[
            pltpu.VMEM((n_chunks, CHUNK), jnp.int32),
            [pltpu.VMEM((CHUNK, d), jnp.float32)] * NBUF,
            [pltpu.SemaphoreType.DMA] * NBUF,
            [pltpu.SemaphoreType.DMA] * NBUF,
        ],
    )
    def k(en_idx, hi_idx, en_table, hi_table, out_en, out_hi,
          idx_v, rows, gsem, wsem):
        wid = lax.axis_index("s") * nc + lax.axis_index("c")
        base = wid * b_per_w

        def run_table(idx_hbm, table_hbm, out_hbm):
            pltpu.sync_copy(idx_hbm.at[pl.ds(wid * n_chunks, n_chunks)], idx_v)

            def gather(j, b):
                pltpu.async_copy(table_hbm.at[idx_v.at[j]], rows[b], gsem[b])

            def gather_wait(j, b):
                pltpu.make_async_copy(
                    table_hbm.at[idx_v.at[j]], rows[b], gsem[b]
                ).wait()

            def wb(j, b):
                pltpu.async_copy(
                    rows[b], out_hbm.at[pl.ds(base + j * CHUNK, CHUNK)], wsem[b]
                )

            def wb_wait(j, b):
                pltpu.make_async_copy(
                    rows[b], out_hbm.at[pl.ds(base + j * CHUNK, CHUNK)], wsem[b]
                ).wait()

            for c in range(K):
                gather(c, c % NBUF)

            for j in range(NBUF):
                gather_wait(j, j % NBUF)
                wb(j, j % NBUF)
                if j + K - NBUF >= 0:
                    wb_wait(j + K - NBUF, (j + K) % NBUF)
                gather(j + K, (j + K) % NBUF)

            @pl.loop(NBUF, n_chunks - NBUF, step=NBUF)
            def body(g):
                for b in range(NBUF):
                    j = g + b
                    gather_wait(j, b)
                    wb(j, b)
                    wb_wait(j + K - NBUF, (b + K) % NBUF)
                    gather(j + K, (b + K) % NBUF)

            for j in range(n_chunks - NBUF, n_chunks):
                gather_wait(j, j % NBUF)
                wb(j, j % NBUF)
                wb_wait(j + K - NBUF, (j + K) % NBUF)
                if j + K < n_chunks:
                    gather(j + K, (j + K) % NBUF)
            for j in range(n_chunks + K - NBUF, n_chunks):
                wb_wait(j, j % NBUF)

        run_table(en_idx, en_table, out_en)
        run_table(hi_idx, hi_table, out_hi)

    return k


def kernel(en_tokens, hi_tokens, en_table, hi_table):
    b, s = en_tokens.shape
    n = b * s
    d = en_table.shape[1]
    k = _build(n, d)
    en_flat = en_tokens.reshape(n // CHUNK, CHUNK).astype(jnp.int32)
    hi_flat = hi_tokens.reshape(n // CHUNK, CHUNK).astype(jnp.int32)
    out_en, out_hi = k(en_flat, hi_flat, en_table, hi_table)
    return (out_en.reshape(b, s, d), out_hi.reshape(b, s, d))

# --- scband reference (transcript-rebuilt; emitter-appended) ---
"""Pipeline reference for scband-language-embedding-43250320671101 (READ-ONLY COPY).

The authoritative reference and input builder live on the scoring server;
editing this copy changes nothing except your own understanding.
"""

import jax, jax.numpy as jnp
import numpy as np

EN_VOCAB = 100000
HI_VOCAB = 100000
D_MODEL = 128
BATCH = 4096
SEQ = 200


def setup_inputs(seed: int = 0) -> dict:
    key = jax.random.key(seed)
    k1, k2, k3, k4 = jax.random.split(key, 4)
    en_tokens = jax.random.randint(k1, (BATCH, SEQ), 0, EN_VOCAB, dtype=jnp.int64 if jax.config.jax_enable_x64 else jnp.int32)
    hi_tokens = jax.random.randint(k2, (BATCH, SEQ), 0, HI_VOCAB, dtype=jnp.int64 if jax.config.jax_enable_x64 else jnp.int32)
    en_table = jax.random.normal(k3, (EN_VOCAB, D_MODEL), dtype=jnp.float32)
    hi_table = jax.random.normal(k4, (HI_VOCAB, D_MODEL), dtype=jnp.float32)
    return {"en_tokens": en_tokens, "hi_tokens": hi_tokens, "en_table": en_table, "hi_table": hi_table}


def reference(en_tokens, hi_tokens, en_table, hi_table):
    # Faithful translation of Language_Embedding.forward:
    # two independent embedding lookups (gathers) returned as a tuple.
    en_embed = jnp.take(en_table, en_tokens, axis=0)
    hi_embed = jnp.take(hi_table, hi_tokens, axis=0)
    return (en_embed, hi_embed)

if __name__ == "__main__":
    import jax
    _d = setup_inputs()
    print(jax.jit(kernel)(*tuple(_d.values())))

</pallas_src>

<mosaic_0001>
#map = affine_map<(d0, d1) -> (0, 0)>
module attributes {stable_mosaic.version = 14 : i64} {
  func.func @k(%arg0: i32, %arg1: i32, %arg2: memref<6400x128xi32, #tpu.memory_space<hbm>>, %arg3: memref<6400x128xi32, #tpu.memory_space<hbm>>, %arg4: memref<100000x128xf32, #tpu.memory_space<hbm>>, %arg5: memref<100000x128xf32, #tpu.memory_space<hbm>>, %arg6: memref<819200x128xf32, #tpu.memory_space<hbm>>, %arg7: memref<819200x128xf32, #tpu.memory_space<hbm>>, %arg8: memref<200x128xi32, #tpu.memory_space<vmem>>, %arg9: memref<128x128xf32, #tpu.memory_space<vmem>>, %arg10: memref<128x128xf32, #tpu.memory_space<vmem>>, %arg11: memref<128x128xf32, #tpu.memory_space<vmem>>, %arg12: memref<128x128xf32, #tpu.memory_space<vmem>>, %arg13: memref<128x128xf32, #tpu.memory_space<vmem>>, %arg14: memref<!tpu.dma_semaphore, #tpu.memory_space<semaphore_mem>>, %arg15: memref<!tpu.dma_semaphore, #tpu.memory_space<semaphore_mem>>, %arg16: memref<!tpu.dma_semaphore, #tpu.memory_space<semaphore_mem>>, %arg17: memref<!tpu.dma_semaphore, #tpu.memory_space<semaphore_mem>>, %arg18: memref<!tpu.dma_semaphore, #tpu.memory_space<semaphore_mem>>, %arg19: memref<!tpu.dma_semaphore, #tpu.memory_space<semaphore_mem>>, %arg20: memref<!tpu.dma_semaphore, #tpu.memory_space<semaphore_mem>>, %arg21: memref<!tpu.dma_semaphore, #tpu.memory_space<semaphore_mem>>, %arg22: memref<!tpu.dma_semaphore, #tpu.memory_space<semaphore_mem>>, %arg23: memref<!tpu.dma_semaphore, #tpu.memory_space<semaphore_mem>>) attributes {dimension_semantics = [#tpu.dimension_semantics<core_parallel>, #tpu.dimension_semantics<subcore_parallel>], iteration_bounds = array<i64: 2, 16>, scalar_prefetch = 0 : i64, scratch_operands = 16 : i64, tpu.core_type = #tpu.core_type<sc_vector_subcore>, window_params = [{transform_indices = #map}, {transform_indices = #map}, {transform_indices = #map}, {transform_indices = #map}, {transform_indices = #map}, {transform_indices = #map}]} {
    %mul3A = arith.constant 2 : i32
    %mul3A_0 = arith.muli %arg1, %mul3A : i32
    %add3A = arith.addi %mul3A_0, %arg0 : i32
    %mul3A_1 = arith.constant 25600 : i32
    %mul3A_2 = arith.muli %add3A, %mul3A_1 : i32
    %mul3A_3 = arith.constant 200 : i32
    %mul3A_4 = arith.muli %add3A, %mul3A_3 : i32
    "tpu.region"() ({
      %run_scoped3A = tpu.sem_alloc : memref<!tpu.dma_semaphore, #tpu.memory_space<semaphore_mem>>
      %dma_start3A_534 = arith.constant 0 : i32
      %dma_start3A_535 = tpu.memref_slice %arg2[%mul3A_4, %dma_start3A_534] : memref<6400x128xi32, #tpu.memory_space<hbm>> -> memref<200x128xi32, #tpu.memory_space<hbm>>
      %dma_start3A_536 = arith.constant 0 : i32
      %dma_start3A_537 = tpu.memref_slice %arg2[%mul3A_4, %dma_start3A_536] : memref<6400x128xi32, #tpu.memory_space<hbm>> -> memref<200x128xi32, #tpu.memory_space<hbm>>
      tpu.enqueue_dma source(%dma_start3A_537 : memref<200x128xi32, #tpu.memory_space<hbm>>) target(%arg8 : memref<200x128xi32, #tpu.memory_space<vmem>>) target_semaphore(%run_scoped3A : memref<!tpu.dma_semaphore, #tpu.memory_space<semaphore_mem>>)
      %dma_wait3A_538 = arith.constant 0 : i32
      %dma_wait3A_539 = tpu.memref_slice %arg2[%mul3A_4, %dma_wait3A_538] : memref<6400x128xi32, #tpu.memory_space<hbm>> -> memref<200x128xi32, #tpu.memory_space<hbm>>
      %dma_wait3A_540 = arith.constant 0 : i32
      %dma_wait3A_541 = tpu.memref_slice %arg2[%mul3A_4, %dma_wait3A_540] : memref<6400x128xi32, #tpu.memory_space<hbm>> -> memref<200x128xi32, #tpu.memory_space<hbm>>
      tpu.wait_dma2 semaphore(%run_scoped3A : memref<!tpu.dma_semaphore, #tpu.memory_space<semaphore_mem>>) src(%dma_wait3A_541 : memref<200x128xi32, #tpu.memory_space<hbm>>) dst(%arg8 : memref<200x128xi32, #tpu.memory_space<vmem>>)
      tpu.yield
    }) : () -> ()
    %dma_start3A = arith.constant 0 : i32
    %dma_start3A_5 = arith.constant 0 : i32
    %dma_start3A_6 = tpu.memref_slice %arg8[%dma_start3A, %dma_start3A_5] : memref<200x128xi32, #tpu.memory_space<vmem>> -> memref<1x128xi32, #tpu.memory_space<vmem>>
    %dma_start3A_7 = tpu.memref_squeeze %dma_start3A_6 : memref<1x128xi32, #tpu.memory_space<vmem>> -> memref<128xi32, #tpu.memory_space<vmem>>
    %dma_start3A_8 = arith.constant 0 : i32
    %dma_start3A_9 = arith.constant 0 : i32
    %dma_start3A_10 = tpu.memref_slice %arg4[%dma_start3A_8, %dma_start3A_9] : memref<100000x128xf32, #tpu.memory_space<hbm>> -> memref<100000x128xf32, #tpu.memory_space<hbm>>
    tpu.enqueue_indirect_dma source(%dma_start3A_10 : memref<100000x128xf32, #tpu.memory_space<hbm>>) target(%arg9 : memref<128x128xf32, #tpu.memory_space<vmem>>) offsets(%dma_start3A_7 : memref<128xi32, #tpu.memory_space<vmem>>) semaphore(%arg14 : memref<!tpu.dma_semaphore, #tpu.memory_space<semaphore_mem>>)
    %dma_start3A_11 = arith.constant 1 : i32
    %dma_start3A_12 = arith.constant 0 : i32
    %dma_start3A_13 = tpu.memref_slice %arg8[%dma_start3A_11, %dma_start3A_12] : memref<200x128xi32, #tpu.memory_space<vmem>> -> memref<1x128xi32, #tpu.memory_space<vmem>>
    %dma_start3A_14 = tpu.memref_squeeze %dma_start3A_13 : memref<1x128xi32, #tpu.memory_space<vmem>> -> memref<128xi32, #tpu.memory_space<vmem>>
    %dma_start3A_15 = arith.constant 0 : i32
    %dma_start3A_16 = arith.constant 0 : i32
    %dma_start3A_17 = tpu.memref_slice %arg4[%dma_start3A_15, %dma_start3A_16] : memref<100000x128xf32, #tpu.memory_space<hbm>> -> memref<100000x128xf32, #tpu.memory_space<hbm>>
    tpu.enqueue_indirect_dma source(%dma_start3A_17 : memref<100000x128xf32, #tpu.memory_space<hbm>>) target(%arg10 : memref<128x128xf32, #tpu.memory_space<vmem>>) offsets(%dma_start3A_14 : memref<128xi32, #tpu.memory_space<vmem>>) semaphore(%arg15 : memref<!tpu.dma_semaphore, #tpu.memory_space<semaphore_mem>>)
    %dma_wait3A = arith.constant 0 : i32
    %dma_wait3A_18 = arith.constant 0 : i32
    %dma_wait3A_19 = tpu.memref_slice %arg8[%dma_wait3A, %dma_wait3A_18] : memref<200x128xi32, #tpu.memory_space<vmem>> -> memref<1x128xi32, #tpu.memory_space<vmem>>
    %dma_wait3A_20 = tpu.memref_squeeze %dma_wait3A_19 : memref<1x128xi32, #tpu.memory_space<vmem>> -> memref<128xi32, #tpu.memory_space<vmem>>
    %dma_wait3A_21 = arith.constant 0 : i32
    %dma_wait3A_22 = arith.constant 0 : i32
    %dma_wait3A_23 = tpu.memref_slice %arg4[%dma_wait3A_21, %dma_wait3A_22] : memref<100000x128xf32, #tpu.memory_space<hbm>> -> memref<100000x128xf32, #tpu.memory_space<hbm>>
    tpu.wait_indirect_dma semaphore(%arg14 : memref<!tpu.dma_semaphore, #tpu.memory_space<semaphore_mem>>) src(%dma_wait3A_23 : memref<100000x128xf32, #tpu.memory_space<hbm>>) dst(%arg9 : memref<128x128xf32, #tpu.memory_space<vmem>>)
    %add3A_24 = arith.constant 0 : i32
    %add3A_25 = arith.addi %mul3A_2, %add3A_24 : i32
    %dma_start3A_26 = arith.constant 0 : i32
    %dma_start3A_27 = tpu.memref_slice %arg6[%add3A_25, %dma_start3A_26] : memref<819200x128xf32, #tpu.memory_space<hbm>> -> memref<128x128xf32, #tpu.memory_space<hbm>>
    %dma_start3A_28 = arith.constant 0 : i32
    %dma_start3A_29 = tpu.memref_slice %arg6[%add3A_25, %dma_start3A_28] : memref<819200x128xf32, #tpu.memory_space<hbm>> -> memref<128x128xf32, #tpu.memory_space<hbm>>
    tpu.enqueue_dma source(%arg9 : memref<128x128xf32, #tpu.memory_space<vmem>>) target(%dma_start3A_29 : memref<128x128xf32, #tpu.memory_space<hbm>>) target_semaphore(%arg19 : memref<!tpu.dma_semaphore, #tpu.memory_space<semaphore_mem>>)
    %dma_start3A_30 = arith.constant 2 : i32
    %dma_start3A_31 = arith.constant 0 : i32
    %dma_start3A_32 = tpu.memref_slice %arg8[%dma_start3A_30, %dma_start3A_31] : memref<200x128xi32, #tpu.memory_space<vmem>> -> memref<1x128xi32, #tpu.memory_space<vmem>>
    %dma_start3A_33 = tpu.memref_squeeze %dma_start3A_32 : memref<1x128xi32, #tpu.memory_space<vmem>> -> memref<128xi32, #tpu.memory_space<vmem>>
    %dma_start3A_34 = arith.constant 0 : i32
    %dma_start3A_35 = arith.constant 0 : i32
    %dma_start3A_36 = tpu.memref_slice %arg4[%dma_start3A_34, %dma_start3A_35] : memref<100000x128xf32, #tpu.memory_space<hbm>> -> memref<100000x128xf32, #tpu.memory_space<hbm>>
    tpu.enqueue_indirect_dma source(%dma_start3A_36 : memref<100000x128xf32, #tpu.memory_space<hbm>>) target(%arg11 : memref<128x128xf32, #tpu.memory_space<vmem>>) offsets(%dma_start3A_33 : memref<128xi32, #tpu.memory_space<vmem>>) semaphore(%arg16 : memref<!tpu.dma_semaphore, #tpu.memory_space<semaphore_mem>>)
    %dma_wait3A_37 = arith.constant 1 : i32
    %dma_wait3A_38 = arith.constant 0 : i32
    %dma_wait3A_39 = tpu.memref_slice %arg8[%dma_wait3A_37, %dma_wait3A_38] : memref<200x128xi32, #tpu.memory_space<vmem>> -> memref<1x128xi32, #tpu.memory_space<vmem>>
    %dma_wait3A_40 = tpu.memref_squeeze %dma_wait3A_39 : memref<1x128xi32, #tpu.memory_space<vmem>> -> memref<128xi32, #tpu.memory_space<vmem>>
    %dma_wait3A_41 = arith.constant 0 : i32
    %dma_wait3A_42 = arith.constant 0 : i32
    %dma_wait3A_43 = tpu.memref_slice %arg4[%dma_wait3A_41, %dma_wait3A_42] : memref<100000x128xf32, #tpu.memory_space<hbm>> -> memref<100000x128xf32, #tpu.memory_space<hbm>>
    tpu.wait_indirect_dma semaphore(%arg15 : memref<!tpu.dma_semaphore, #tpu.memory_space<semaphore_mem>>) src(%dma_wait3A_43 : memref<100000x128xf32, #tpu.memory_space<hbm>>) dst(%arg10 : memref<128x128xf32, #tpu.memory_space<vmem>>)
    %add3A_44 = arith.constant 128 : i32
    %add3A_45 = arith.addi %mul3A_2, %add3A_44 : i32
    %dma_start3A_46 = arith.constant 0 : i32
    %dma_start3A_47 = tpu.memref_slice %arg6[%add3A_45, %dma_start3A_46] : memref<819200x128xf32, #tpu.memory_space<hbm>> -> memref<128x128xf32, #tpu.memory_space<hbm>>
    %dma_start3A_48 = arith.constant 0 : i32
    %dma_start3A_49 = tpu.memref_slice %arg6[%add3A_45, %dma_start3A_48] : memref<819200x128xf32, #tpu.memory_space<hbm>> -> memref<128x128xf32, #tpu.memory_space<hbm>>
    tpu.enqueue_dma source(%arg10 : memref<128x128xf32, #tpu.memory_space<vmem>>) target(%dma_start3A_49 : memref<128x128xf32, #tpu.memory_space<hbm>>) target_semaphore(%arg20 : memref<!tpu.dma_semaphore, #tpu.memory_space<semaphore_mem>>)
    %dma_start3A_50 = arith.constant 3 : i32
    %dma_start3A_51 = arith.constant 0 : i32
    %dma_start3A_52 = tpu.memref_slice %arg8[%dma_start3A_50, %dma_start3A_51] : memref<200x128xi32, #tpu.memory_space<vmem>> -> memref<1x128xi32, #tpu.memory_space<vmem>>
    %dma_start3A_53 = tpu.memref_squeeze %dma_start3A_52 : memref<1x128xi32, #tpu.memory_space<vmem>> -> memref<128xi32, #tpu.memory_space<vmem>>
    %dma_start3A_54 = arith.constant 0 : i32
    %dma_start3A_55 = arith.constant 0 : i32
    %dma_start3A_56 = tpu.memref_slice %arg4[%dma_start3A_54, %dma_start3A_55] : memref<100000x128xf32, #tpu.memory_space<hbm>> -> memref<100000x128xf32, #tpu.memory_space<hbm>>
    tpu.enqueue_indirect_dma source(%dma_start3A_56 : memref<100000x128xf32, #tpu.memory_space<hbm>>) target(%arg12 : memref<128x128xf32, #tpu.memory_space<vmem>>) offsets(%dma_start3A_53 : memref<128xi32, #tpu.memory_space<vmem>>) semaphore(%arg17 : memref<!tpu.dma_semaphore, #tpu.memory_space<semaphore_mem>>)
    %dma_wait3A_57 = arith.constant 2 : i32
    %dma_wait3A_58 = arith.constant 0 : i32
    %dma_wait3A_59 = tpu.memref_slice %arg8[%dma_wait3A_57, %dma_wait3A_58] : memref<200x128xi32, #tpu.memory_space<vmem>> -> memref<1x128xi32, #tpu.memory_space<vmem>>
    %dma_wait3A_60 = tpu.memref_squeeze %dma_wait3A_59 : memref<1x128xi32, #tpu.memory_space<vmem>> -> memref<128xi32, #tpu.memory_space<vmem>>
    %dma_wait3A_61 = arith.constant 0 : i32
    %dma_wait3A_62 = arith.constant 0 : i32
    %dma_wait3A_63 = tpu.memref_slice %arg4[%dma_wait3A_61, %dma_wait3A_62] : memref<100000x128xf32, #tpu.memory_space<hbm>> -> memref<100000x128xf32, #tpu.memory_space<hbm>>
    tpu.wait_indirect_dma semaphore(%arg16 : memref<!tpu.dma_semaphore, #tpu.memory_space<semaphore_mem>>) src(%dma_wait3A_63 : memref<100000x128xf32, #tpu.memory_space<hbm>>) dst(%arg11 : memref<128x128xf32, #tpu.memory_space<vmem>>)
    %add3A_64 = arith.constant 256 : i32
    %add3A_65 = arith.addi %mul3A_2, %add3A_64 : i32
    %dma_start3A_66 = arith.constant 0 : i32
    %dma_start3A_67 = tpu.memref_slice %arg6[%add3A_65, %dma_start3A_66] : memref<819200x128xf32, #tpu.memory_space<hbm>> -> memref<128x128xf32, #tpu.memory_space<hbm>>
    %dma_start3A_68 = arith.constant 0 : i32
    %dma_start3A_69 = tpu.memref_slice %arg6[%add3A_65, %dma_start3A_68] : memref<819200x128xf32, #tpu.memory_space<hbm>> -> memref<128x128xf32, #tpu.memory_space<hbm>>
    tpu.enqueue_dma source(%arg11 : memref<128x128xf32, #tpu.memory_space<vmem>>) target(%dma_start3A_69 : memref<128x128xf32, #tpu.memory_space<hbm>>) target_semaphore(%arg21 : memref<!tpu.dma_semaphore, #tpu.memory_space<semaphore_mem>>)
    %dma_start3A_70 = arith.constant 4 : i32
    %dma_start3A_71 = arith.constant 0 : i32
    %dma_start3A_72 = tpu.memref_slice %arg8[%dma_start3A_70, %dma_start3A_71] : memref<200x128xi32, #tpu.memory_space<vmem>> -> memref<1x128xi32, #tpu.memory_space<vmem>>
    %dma_start3A_73 = tpu.memref_squeeze %dma_start3A_72 : memref<1x128xi32, #tpu.memory_space<vmem>> -> memref<128xi32, #tpu.memory_space<vmem>>
    %dma_start3A_74 = arith.constant 0 : i32
    %dma_start3A_75 = arith.constant 0 : i32
    %dma_start3A_76 = tpu.memref_slice %arg4[%dma_start3A_74, %dma_start3A_75] : memref<100000x128xf32, #tpu.memory_space<hbm>> -> memref<100000x128xf32, #tpu.memory_space<hbm>>
    tpu.enqueue_indirect_dma source(%dma_start3A_76 : memref<100000x128xf32, #tpu.memory_space<hbm>>) target(%arg13 : memref<128x128xf32, #tpu.memory_space<vmem>>) offsets(%dma_start3A_73 : memref<128xi32, #tpu.memory_space<vmem>>) semaphore(%arg18 : memref<!tpu.dma_semaphore, #tpu.memory_space<semaphore_mem>>)
    %dma_wait3A_77 = arith.constant 3 : i32
    %dma_wait3A_78 = arith.constant 0 : i32
    %dma_wait3A_79 = tpu.memref_slice %arg8[%dma_wait3A_77, %dma_wait3A_78] : memref<200x128xi32, #tpu.memory_space<vmem>> -> memref<1x128xi32, #tpu.memory_space<vmem>>
    %dma_wait3A_80 = tpu.memref_squeeze %dma_wait3A_79 : memref<1x128xi32, #tpu.memory_space<vmem>> -> memref<128xi32, #tpu.memory_space<vmem>>
    %dma_wait3A_81 = arith.constant 0 : i32
    %dma_wait3A_82 = arith.constant 0 : i32
    %dma_wait3A_83 = tpu.memref_slice %arg4[%dma_wait3A_81, %dma_wait3A_82] : memref<100000x128xf32, #tpu.memory_space<hbm>> -> memref<100000x128xf32, #tpu.memory_space<hbm>>
    tpu.wait_indirect_dma semaphore(%arg17 : memref<!tpu.dma_semaphore, #tpu.memory_space<semaphore_mem>>) src(%dma_wait3A_83 : memref<100000x128xf32, #tpu.memory_space<hbm>>) dst(%arg12 : memref<128x128xf32, #tpu.memory_space<vmem>>)
    %add3A_84 = arith.constant 384 : i32
    %add3A_85 = arith.addi %mul3A_2, %add3A_84 : i32
    %dma_start3A_86 = arith.constant 0 : i32
    %dma_start3A_87 = tpu.memref_slice %arg6[%add3A_85, %dma_start3A_86] : memref<819200x128xf32, #tpu.memory_space<hbm>> -> memref<128x128xf32, #tpu.memory_space<hbm>>
    %dma_start3A_88 = arith.constant 0 : i32
    %dma_start3A_89 = tpu.memref_slice %arg6[%add3A_85, %dma_start3A_88] : memref<819200x128xf32, #tpu.memory_space<hbm>> -> memref<128x128xf32, #tpu.memory_space<hbm>>
    tpu.enqueue_dma source(%arg12 : memref<128x128xf32, #tpu.memory_space<vmem>>) target(%dma_start3A_89 : memref<128x128xf32, #tpu.memory_space<hbm>>) target_semaphore(%arg22 : memref<!tpu.dma_semaphore, #tpu.memory_space<semaphore_mem>>)
    %add3A_90 = arith.constant 0 : i32
    %add3A_91 = arith.addi %mul3A_2, %add3A_90 : i32
    %dma_wait3A_92 = arith.constant 0 : i32
    %dma_wait3A_93 = tpu.memref_slice %arg6[%add3A_91, %dma_wait3A_92] : memref<819200x128xf32, #tpu.memory_space<hbm>> -> memref<128x128xf32, #tpu.memory_space<hbm>>
    %dma_wait3A_94 = arith.constant 0 : i32
    %dma_wait3A_95 = tpu.memref_slice %arg6[%add3A_91, %dma_wait3A_94] : memref<819200x128xf32, #tpu.memory_space<hbm>> -> memref<128x128xf32, #tpu.memory_space<hbm>>
    tpu.wait_dma2 semaphore(%arg19 : memref<!tpu.dma_semaphore, #tpu.memory_space<semaphore_mem>>) src(%arg9 : memref<128x128xf32, #tpu.memory_space<vmem>>) dst(%dma_wait3A_95 : memref<128x128xf32, #tpu.memory_space<hbm>>)
    %dma_start3A_96 = arith.constant 5 : i32
    %dma_start3A_97 = arith.constant 0 : i32
    %dma_start3A_98 = tpu.memref_slice %arg8[%dma_start3A_96, %dma_start3A_97] : memref<200x128xi32, #tpu.memory_space<vmem>> -> memref<1x128xi32, #tpu.memory_space<vmem>>
    %dma_start3A_99 = tpu.memref_squeeze %dma_start3A_98 : memref<1x128xi32, #tpu.memory_space<vmem>> -> memref<128xi32, #tpu.memory_space<vmem>>
    %dma_start3A_100 = arith.constant 0 : i32
    %dma_start3A_101 = arith.constant 0 : i32
    %dma_start3A_102 = tpu.memref_slice %arg4[%dma_start3A_100, %dma_start3A_101] : memref<100000x128xf32, #tpu.memory_space<hbm>> -> memref<100000x128xf32, #tpu.memory_space<hbm>>
    tpu.enqueue_indirect_dma source(%dma_start3A_102 : memref<100000x128xf32, #tpu.memory_space<hbm>>) target(%arg9 : memref<128x128xf32, #tpu.memory_space<vmem>>) offsets(%dma_start3A_99 : memref<128xi32, #tpu.memory_space<vmem>>) semaphore(%arg14 : memref<!tpu.dma_semaphore, #tpu.memory_space<semaphore_mem>>)
    %dma_wait3A_103 = arith.constant 4 : i32
    %dma_wait3A_104 = arith.constant 0 : i32
    %dma_wait3A_105 = tpu.memref_slice %arg8[%dma_wait3A_103, %dma_wait3A_104] : memref<200x128xi32, #tpu.memory_space<vmem>> -> memref<1x128xi32, #tpu.memory_space<vmem>>
    %dma_wait3A_106 = tpu.memref_squeeze %dma_wait3A_105 : memref<1x128xi32, #tpu.memory_space<vmem>> -> memref<128xi32, #tpu.memory_space<vmem>>
    %dma_wait3A_107 = arith.constant 0 : i32
    %dma_wait3A_108 = arith.constant 0 : i32
    %dma_wait3A_109 = tpu.memref_slice %arg4[%dma_wait3A_107, %dma_wait3A_108] : memref<100000x128xf32, #tpu.memory_space<hbm>> -> memref<100000x128xf32, #tpu.memory_space<hbm>>
    tpu.wait_indirect_dma semaphore(%arg18 : memref<!tpu.dma_semaphore, #tpu.memory_space<semaphore_mem>>) src(%dma_wait3A_109 : memref<100000x128xf32, #tpu.memory_space<hbm>>) dst(%arg13 : memref<128x128xf32, #tpu.memory_space<vmem>>)
    %add3A_110 = arith.constant 512 : i32
    %add3A_111 = arith.addi %mul3A_2, %add3A_110 : i32
    %dma_start3A_112 = arith.constant 0 : i32
    %dma_start3A_113 = tpu.memref_slice %arg6[%add3A_111, %dma_start3A_112] : memref<819200x128xf32, #tpu.memory_space<hbm>> -> memref<128x128xf32, #tpu.memory_space<hbm>>
    %dma_start3A_114 = arith.constant 0 : i32
    %dma_start3A_115 = tpu.memref_slice %arg6[%add3A_111, %dma_start3A_114] : memref<819200x128xf32, #tpu.memory_space<hbm>> -> memref<128x128xf32, #tpu.memory_space<hbm>>
    tpu.enqueue_dma source(%arg13 : memref<128x128xf32, #tpu.memory_space<vmem>>) target(%dma_start3A_115 : memref<128x128xf32, #tpu.memory_space<hbm>>) target_semaphore(%arg23 : memref<!tpu.dma_semaphore, #tpu.memory_space<semaphore_mem>>)
    %add3A_116 = arith.constant 128 : i32
    %add3A_117 = arith.addi %mul3A_2, %add3A_116 : i32
    %dma_wait3A_118 = arith.constant 0 : i32
    %dma_wait3A_119 = tpu.memref_slice %arg6[%add3A_117, %dma_wait3A_118] : memref<819200x128xf32, #tpu.memory_space<hbm>> -> memref<128x128xf32, #tpu.memory_space<hbm>>
    %dma_wait3A_120 = arith.constant 0 : i32
    %dma_wait3A_121 = tpu.memref_slice %arg6[%add3A_117, %dma_wait3A_120] : memref<819200x128xf32, #tpu.memory_space<hbm>> -> memref<128x128xf32, #tpu.memory_space<hbm>>
    tpu.wait_dma2 semaphore(%arg20 : memref<!tpu.dma_semaphore, #tpu.memory_space<semaphore_mem>>) src(%arg10 : memref<128x128xf32, #tpu.memory_space<vmem>>) dst(%dma_wait3A_121 : memref<128x128xf32, #tpu.memory_space<hbm>>)
    %dma_start3A_122 = arith.constant 6 : i32
    %dma_start3A_123 = arith.constant 0 : i32
    %dma_start3A_124 = tpu.memref_slice %arg8[%dma_start3A_122, %dma_start3A_123] : memref<200x128xi32, #tpu.memory_space<vmem>> -> memref<1x128xi32, #tpu.memory_space<vmem>>
    %dma_start3A_125 = tpu.memref_squeeze %dma_start3A_124 : memref<1x128xi32, #tpu.memory_space<vmem>> -> memref<128xi32, #tpu.memory_space<vmem>>
    %dma_start3A_126 = arith.constant 0 : i32
    %dma_start3A_127 = arith.constant 0 : i32
    %dma_start3A_128 = tpu.memref_slice %arg4[%dma_start3A_126, %dma_start3A_127] : memref<100000x128xf32, #tpu.memory_space<hbm>> -> memref<100000x128xf32, #tpu.memory_space<hbm>>
    tpu.enqueue_indirect_dma source(%dma_start3A_128 : memref<100000x128xf32, #tpu.memory_space<hbm>>) target(%arg10 : memref<128x128xf32, #tpu.memory_space<vmem>>) offsets(%dma_start3A_125 : memref<128xi32, #tpu.memory_space<vmem>>) semaphore(%arg15 : memref<!tpu.dma_semaphore, #tpu.memory_space<semaphore_mem>>)
    %scan3A = arith.constant 0 : i32
    %scan3A_129 = arith.constant 38 : i32
    %scan3A_130 = arith.addi %scan3A, %scan3A_129 : i32
    %scan3A_131 = arith.constant 1 : i32
    scf.for %scan3A_534 = %scan3A to %scan3A_130 step %scan3A_131  : i32 {
      %mul3A_535 = arith.constant 5 : i32
      %mul3A_536 = arith.muli %scan3A_534, %mul3A_535 : i32
      %add3A_537 = arith.constant 5 : i32
      %add3A_538 = arith.addi %add3A_537, %mul3A_536 : i32
      %add3A_539 = arith.constant 0 : i32
      %add3A_540 = arith.addi %add3A_538, %add3A_539 : i32
      %dma_wait3A_541 = arith.constant 0 : i32
      %dma_wait3A_542 = tpu.memref_slice %arg8[%add3A_540, %dma_wait3A_541] : memref<200x128xi32, #tpu.memory_space<vmem>> -> memref<1x128xi32, #tpu.memory_space<vmem>>
      %dma_wait3A_543 = tpu.memref_squeeze %dma_wait3A_542 : memref<1x128xi32, #tpu.memory_space<vmem>> -> memref<128xi32, #tpu.memory_space<vmem>>
      %dma_wait3A_544 = arith.constant 0 : i32
      %dma_wait3A_545 = arith.constant 0 : i32
      %dma_wait3A_546 = tpu.memref_slice %arg4[%dma_wait3A_544, %dma_wait3A_545] : memref<100000x128xf32, #tpu.memory_space<hbm>> -> memref<100000x128xf32, #tpu.memory_space<hbm>>
      tpu.wait_indirect_dma semaphore(%arg14 : memref<!tpu.dma_semaphore, #tpu.memory_space<semaphore_mem>>) src(%dma_wait3A_546 : memref<100000x128xf32, #tpu.memory_space<hbm>>) dst(%arg9 : memref<128x128xf32, #tpu.memory_space<vmem>>)
      %mul3A_547 = arith.constant 128 : i32
      %mul3A_548 = arith.muli %add3A_540, %mul3A_547 : i32
      %add3A_549 = arith.addi %mul3A_2, %mul3A_548 : i32
      %dma_start3A_550 = arith.constant 0 : i32
      %dma_start3A_551 = tpu.memref_slice %arg6[%add3A_549, %dma_start3A_550] : memref<819200x128xf32, #tpu.memory_space<hbm>> -> memref<128x128xf32, #tpu.memory_space<hbm>>
      %dma_start3A_552 = arith.constant 0 : i32
      %dma_start3A_553 = tpu.memref_slice %arg6[%add3A_549, %dma_start3A_552] : memref<819200x128xf32, #tpu.memory_space<hbm>> -> memref<128x128xf32, #tpu.memory_space<hbm>>
      tpu.enqueue_dma source(%arg9 : memref<128x128xf32, #tpu.memory_space<vmem>>) target(%dma_start3A_553 : memref<128x128xf32, #tpu.memory_space<hbm>>) target_semaphore(%arg19 : memref<!tpu.dma_semaphore, #tpu.memory_space<semaphore_mem>>)
      %add3A_554 = arith.constant 2 : i32
      %add3A_555 = arith.addi %add3A_540, %add3A_554 : i32
      %sub3A = arith.constant 5 : i32
      %sub3A_556 = arith.subi %add3A_555, %sub3A : i32
      %mul3A_557 = arith.constant 128 : i32
      %mul3A_558 = arith.muli %sub3A_556, %mul3A_557 : i32
      %add3A_559 = arith.addi %mul3A_2, %mul3A_558 : i32
      %dma_wait3A_560 = arith.constant 0 : i32
      %dma_wait3A_561 = tpu.memref_slice %arg6[%add3A_559, %dma_wait3A_560] : memref<819200x128xf32, #tpu.memory_space<hbm>> -> memref<128x128xf32, #tpu.memory_space<hbm>>
      %dma_wait3A_562 = arith.constant 0 : i32
      %dma_wait3A_563 = tpu.memref_slice %arg6[%add3A_559, %dma_wait3A_562] : memref<819200x128xf32, #tpu.memory_space<hbm>> -> memref<128x128xf32, #tpu.memory_space<hbm>>
      tpu.wait_dma2 semaphore(%arg21 : memref<!tpu.dma_semaphore, #tpu.memory_space<semaphore_mem>>) src(%arg11 : memref<128x128xf32, #tpu.memory_space<vmem>>) dst(%dma_wait3A_563 : memref<128x128xf32, #tpu.memory_space<hbm>>)
      %add3A_564 = arith.constant 2 : i32
      %add3A_565 = arith.addi %add3A_540, %add3A_564 : i32
      %dma_start3A_566 = arith.constant 0 : i32
      %dma_start3A_567 = tpu.memref_slice %arg8[%add3A_565, %dma_start3A_566] : memref<200x128xi32, #tpu.memory_space<vmem>> -> memref<1x128xi32, #tpu.memory_space<vmem>>
      %dma_start3A_568 = tpu.memref_squeeze %dma_start3A_567 : memref<1x128xi32, #tpu.memory_space<vmem>> -> memref<128xi32, #tpu.memory_space<vmem>>
      %dma_start3A_569 = arith.constant 0 : i32
      %dma_start3A_570 = arith.constant 0 : i32
      %dma_start3A_571 = tpu.memref_slice %arg4[%dma_start3A_569, %dma_start3A_570] : memref<100000x128xf32, #tpu.memory_space<hbm>> -> memref<100000x128xf32, #tpu.memory_space<hbm>>
      tpu.enqueue_indirect_dma source(%dma_start3A_571 : memref<100000x128xf32, #tpu.memory_space<hbm>>) target(%arg11 : memref<128x128xf32, #tpu.memory_space<vmem>>) offsets(%dma_start3A_568 : memref<128xi32, #tpu.memory_space<vmem>>) semaphore(%arg16 : memref<!tpu.dma_semaphore, #tpu.memory_space<semaphore_mem>>)
      %add3A_572 = arith.constant 1 : i32
      %add3A_573 = arith.addi %add3A_538, %add3A_572 : i32
      %dma_wait3A_574 = arith.constant 0 : i32
      %dma_wait3A_575 = tpu.memref_slice %arg8[%add3A_573, %dma_wait3A_574] : memref<200x128xi32, #tpu.memory_space<vmem>> -> memref<1x128xi32, #tpu.memory_space<vmem>>
      %dma_wait3A_576 = tpu.memref_squeeze %dma_wait3A_575 : memref<1x128xi32, #tpu.memory_space<vmem>> -> memref<128xi32, #tpu.memory_space<vmem>>
      %dma_wait3A_577 = arith.constant 0 : i32
      %dma_wait3A_578 = arith.constant 0 : i32
      %dma_wait3A_579 = tpu.memref_slice %arg4[%dma_wait3A_577, %dma_wait3A_578] : memref<100000x128xf32, #tpu.memory_space<hbm>> -> memref<100000x128xf32, #tpu.memory_space<hbm>>
      tpu.wait_indirect_dma semaphore(%arg15 : memref<!tpu.dma_semaphore, #tpu.memory_space<semaphore_mem>>) src(%dma_wait3A_579 : memref<100000x128xf32, #tpu.memory_space<hbm>>) dst(%arg10 : memref<128x128xf32, #tpu.memory_space<vmem>>)
      %mul3A_580 = arith.constant 128 : i32
      %mul3A_581 = arith.muli %add3A_573, %mul3A_580 : i32
      %add3A_582 = arith.addi %mul3A_2, %mul3A_581 : i32
      %dma_start3A_583 = arith.constant 0 : i32
      %dma_start3A_584 = tpu.memref_slice %arg6[%add3A_582, %dma_start3A_583] : memref<819200x128xf32, #tpu.memory_space<hbm>> -> memref<128x128xf32, #tpu.memory_space<hbm>>
      %dma_start3A_585 = arith.constant 0 : i32
      %dma_start3A_586 = tpu.memref_slice %arg6[%add3A_582, %dma_start3A_585] : memref<819200x128xf32, #tpu.memory_space<hbm>> -> memref<128x128xf32, #tpu.memory_space<hbm>>
      tpu.enqueue_dma source(%arg10 : memref<128x128xf32, #tpu.memory_space<vmem>>) target(%dma_start3A_586 : memref<128x128xf32, #tpu.memory_space<hbm>>) target_semaphore(%arg20 : memref<!tpu.dma_semaphore, #tpu.memory_space<semaphore_mem>>)
      %add3A_587 = arith.constant 2 : i32
      %add3A_588 = arith.addi %add3A_573, %add3A_587 : i32
      %sub3A_589 = arith.constant 5 : i32
      %sub3A_590 = arith.subi %add3A_588, %sub3A_589 : i32
      %mul3A_591 = arith.constant 128 : i32
      %mul3A_592 = arith.muli %sub3A_590, %mul3A_591 : i32
      %add3A_593 = arith.addi %mul3A_2, %mul3A_592 : i32
      %dma_wait3A_594 = arith.constant 0 : i32
      %dma_wait3A_595 = tpu.memref_slice %arg6[%add3A_593, %dma_wait3A_594] : memref<819200x128xf32, #tpu.memory_space<hbm>> -> memref<128x128xf32, #tpu.memory_space<hbm>>
      %dma_wait3A_596 = arith.constant 0 : i32
      %dma_wait3A_597 = tpu.memref_slice %arg6[%add3A_593, %dma_wait3A_596] : memref<819200x128xf32, #tpu.memory_space<hbm>> -> memref<128x128xf32, #tpu.memory_space<hbm>>
      tpu.wait_dma2 semaphore(%arg22 : memref<!tpu.dma_semaphore, #tpu.memory_space<semaphore_mem>>) src(%arg12 : memref<128x128xf32, #tpu.memory_space<vmem>>) dst(%dma_wait3A_597 : memref<128x128xf32, #tpu.memory_space<hbm>>)
      %add3A_598 = arith.constant 2 : i32
      %add3A_599 = arith.addi %add3A_573, %add3A_598 : i32
      %dma_start3A_600 = arith.constant 0 : i32
      %dma_start3A_601 = tpu.memref_slice %arg8[%add3A_599, %dma_start3A_600] : memref<200x128xi32, #tpu.memory_space<vmem>> -> memref<1x128xi32, #tpu.memory_space<vmem>>
      %dma_start3A_602 = tpu.memref_squeeze %dma_start3A_601 : memref<1x128xi32, #tpu.memory_space<vmem>> -> memref<128xi32, #tpu.memory_space<vmem>>
      %dma_start3A_603 = arith.constant 0 : i32
      %dma_start3A_604 = arith.constant 0 : i32
      %dma_start3A_605 = tpu.memref_slice %arg4[%dma_start3A_603, %dma_start3A_604] : memref<100000x128xf32, #tpu.memory_space<hbm>> -> memref<100000x128xf32, #tpu.memory_space<hbm>>
      tpu.enqueue_indirect_dma source(%dma_start3A_605 : memref<100000x128xf32, #tpu.memory_space<hbm>>) target(%arg12 : memref<128x128xf32, #tpu.memory_space<vmem>>) offsets(%dma_start3A_602 : memref<128xi32, #tpu.memory_space<vmem>>) semaphore(%arg17 : memref<!tpu.dma_semaphore, #tpu.memory_space<semaphore_mem>>)
      %add3A_606 = arith.constant 2 : i32
      %add3A_607 = arith.addi %add3A_538, %add3A_606 : i32
      %dma_wait3A_608 = arith.constant 0 : i32
      %dma_wait3A_609 = tpu.memref_slice %arg8[%add3A_607, %dma_wait3A_608] : memref<200x128xi32, #tpu.memory_space<vmem>> -> memref<1x128xi32, #tpu.memory_space<vmem>>
      %dma_wait3A_610 = tpu.memref_squeeze %dma_wait3A_609 : memref<1x128xi32, #tpu.memory_space<vmem>> -> memref<128xi32, #tpu.memory_space<vmem>>
      %dma_wait3A_611 = arith.constant 0 : i32
      %dma_wait3A_612 = arith.constant 0 : i32
      %dma_wait3A_613 = tpu.memref_slice %arg4[%dma_wait3A_611, %dma_wait3A_612] : memref<100000x128xf32, #tpu.memory_space<hbm>> -> memref<100000x128xf32, #tpu.memory_space<hbm>>
      tpu.wait_indirect_dma semaphore(%arg16 : memref<!tpu.dma_semaphore, #tpu.memory_space<semaphore_mem>>) src(%dma_wait3A_613 : memref<100000x128xf32, #tpu.memory_space<hbm>>) dst(%arg11 : memref<128x128xf32, #tpu.memory_space<vmem>>)
      %mul3A_614 = arith.constant 128 : i32
      %mul3A_615 = arith.muli %add3A_607, %mul3A_614 : i32
      %add3A_616 = arith.addi %mul3A_2, %mul3A_615 : i32
      %dma_start3A_617 = arith.constant 0 : i32
      %dma_start3A_618 = tpu.memref_slice %arg6[%add3A_616, %dma_start3A_617] : memref<819200x128xf32, #tpu.memory_space<hbm>> -> memref<128x128xf32, #tpu.memory_space<hbm>>
      %dma_start3A_619 = arith.constant 0 : i32
      %dma_start3A_620 = tpu.memref_slice %arg6[%add3A_616, %dma_start3A_619] : memref<819200x128xf32, #tpu.memory_space<hbm>> -> memref<128x128xf32, #tpu.memory_space<hbm>>
      tpu.enqueue_dma source(%arg11 : memref<128x128xf32, #tpu.memory_space<vmem>>) target(%dma_start3A_620 : memref<128x128xf32, #tpu.memory_space<hbm>>) target_semaphore(%arg21 : memref<!tpu.dma_semaphore, #tpu.memory_space<semaphore_mem>>)
      %add3A_621 = arith.constant 2 : i32
      %add3A_622 = arith.addi %add3A_607, %add3A_621 : i32
      %sub3A_623 = arith.constant 5 : i32
      %sub3A_624 = arith.subi %add3A_622, %sub3A_623 : i32
      %mul3A_625 = arith.constant 128 : i32
      %mul3A_626 = arith.muli %sub3A_624, %mul3A_625 : i32
      %add3A_627 = arith.addi %mul3A_2, %mul3A_626 : i32
      %dma_wait3A_628 = arith.constant 0 : i32
      %dma_wait3A_629 = tpu.memref_slice %arg6[%add3A_627, %dma_wait3A_628] : memref<819200x128xf32, #tpu.memory_space<hbm>> -> memref<128x128xf32, #tpu.memory_space<hbm>>
      %dma_wait3A_630 = arith.constant 0 : i32
      %dma_wait3A_631 = tpu.memref_slice %arg6[%add3A_627, %dma_wait3A_630] : memref<819200x128xf32, #tpu.memory_space<hbm>> -> memref<128x128xf32, #tpu.memory_space<hbm>>
      tpu.wait_dma2 semaphore(%arg23 : memref<!tpu.dma_semaphore, #tpu.memory_space<semaphore_mem>>) src(%arg13 : memref<128x128xf32, #tpu.memory_space<vmem>>) dst(%dma_wait3A_631 : memref<128x128xf32, #tpu.memory_space<hbm>>)
      %add3A_632 = arith.constant 2 : i32
      %add3A_633 = arith.addi %add3A_607, %add3A_632 : i32
      %dma_start3A_634 = arith.constant 0 : i32
      %dma_start3A_635 = tpu.memref_slice %arg8[%add3A_633, %dma_start3A_634] : memref<200x128xi32, #tpu.memory_space<vmem>> -> memref<1x128xi32, #tpu.memory_space<vmem>>
      %dma_start3A_636 = tpu.memref_squeeze %dma_start3A_635 : memref<1x128xi32, #tpu.memory_space<vmem>> -> memref<128xi32, #tpu.memory_space<vmem>>
      %dma_start3A_637 = arith.constant 0 : i32
      %dma_start3A_638 = arith.constant 0 : i32
      %dma_start3A_639 = tpu.memref_slice %arg4[%dma_start3A_637, %dma_start3A_638] : memref<100000x128xf32, #tpu.memory_space<hbm>> -> memref<100000x128xf32, #tpu.memory_space<hbm>>
      tpu.enqueue_indirect_dma source(%dma_start3A_639 : memref<100000x128xf32, #tpu.memory_space<hbm>>) target(%arg13 : memref<128x128xf32, #tpu.memory_space<vmem>>) offsets(%dma_start3A_636 : memref<128xi32, #tpu.memory_space<vmem>>) semaphore(%arg18 : memref<!tpu.dma_semaphore, #tpu.memory_space<semaphore_mem>>)
      %add3A_640 = arith.constant 3 : i32
      %add3A_641 = arith.addi %add3A_538, %add3A_640 : i32
      %dma_wait3A_642 = arith.constant 0 : i32
      %dma_wait3A_643 = tpu.memref_slice %arg8[%add3A_641, %dma_wait3A_642] : memref<200x128xi32, #tpu.memory_space<vmem>> -> memref<1x128xi32, #tpu.memory_space<vmem>>
      %dma_wait3A_644 = tpu.memref_squeeze %dma_wait3A_643 : memref<1x128xi32, #tpu.memory_space<vmem>> -> memref<128xi32, #tpu.memory_space<vmem>>
      %dma_wait3A_645 = arith.constant 0 : i32
      %dma_wait3A_646 = arith.constant 0 : i32
      %dma_wait3A_647 = tpu.memref_slice %arg4[%dma_wait3A_645, %dma_wait3A_646] : memref<100000x128xf32, #tpu.memory_space<hbm>> -> memref<100000x128xf32, #tpu.memory_space<hbm>>
      tpu.wait_indirect_dma semaphore(%arg17 : memref<!tpu.dma_semaphore, #tpu.memory_space<semaphore_mem>>) src(%dma_wait3A_647 : memref<100000x128xf32, #tpu.memory_space<hbm>>) dst(%arg12 : memref<128x128xf32, #tpu.memory_space<vmem>>)
      %mul3A_648 = arith.constant 128 : i32
      %mul3A_649 = arith.muli %add3A_641, %mul3A_648 : i32
      %add3A_650 = arith.addi %mul3A_2, %mul3A_649 : i32
      %dma_start3A_651 = arith.constant 0 : i32
      %dma_start3A_652 = tpu.memref_slice %arg6[%add3A_650, %dma_start3A_651] : memref<819200x128xf32, #tpu.memory_space<hbm>> -> memref<128x128xf32, #tpu.memory_space<hbm>>
      %dma_start3A_653 = arith.constant 0 : i32
      %dma_start3A_654 = tpu.memref_slice %arg6[%add3A_650, %dma_start3A_653] : memref<819200x128xf32, #tpu.memory_space<hbm>> -> memref<128x128xf32, #tpu.memory_space<hbm>>
      tpu.enqueue_dma source(%arg12 : memref<128x128xf32, #tpu.memory_space<vmem>>) target(%dma_start3A_654 : memref<128x128xf32, #tpu.memory_space<hbm>>) target_semaphore(%arg22 : memref<!tpu.dma_semaphore, #tpu.memory_space<semaphore_mem>>)
      %add3A_655 = arith.constant 2 : i32
      %add3A_656 = arith.addi %add3A_641, %add3A_655 : i32
      %sub3A_657 = arith.constant 5 : i32
      %sub3A_658 = arith.subi %add3A_656, %sub3A_657 : i32
      %mul3A_659 = arith.constant 128 : i32
      %mul3A_660 = arith.muli %sub3A_658, %mul3A_659 : i32
      %add3A_661 = arith.addi %mul3A_2, %mul3A_660 : i32
      %dma_wait3A_662 = arith.constant 0 : i32
      %dma_wait3A_663 = tpu.memref_slice %arg6[%add3A_661, %dma_wait3A_662] : memref<819200x128xf32, #tpu.memory_space<hbm>> -> memref<128x128xf32, #tpu.memory_space<hbm>>
      %dma_wait3A_664 = arith.constant 0 : i32
      %dma_wait3A_665 = tpu.memref_slice %arg6[%add3A_661, %dma_wait3A_664] : memref<819200x128xf32, #tpu.memory_space<hbm>> -> memref<128x128xf32, #tpu.memory_space<hbm>>
      tpu.wait_dma2 semaphore(%arg19 : memref<!tpu.dma_semaphore, #tpu.memory_space<semaphore_mem>>) src(%arg9 : memref<128x128xf32, #tpu.memory_space<vmem>>) dst(%dma_wait3A_665 : memref<128x128xf32, #tpu.memory_space<hbm>>)
      %add3A_666 = arith.constant 2 : i32
      %add3A_667 = arith.addi %add3A_641, %add3A_666 : i32
      %dma_start3A_668 = arith.constant 0 : i32
      %dma_start3A_669 = tpu.memref_slice %arg8[%add3A_667, %dma_start3A_668] : memref<200x128xi32, #tpu.memory_space<vmem>> -> memref<1x128xi32, #tpu.memory_space<vmem>>
      %dma_start3A_670 = tpu.memref_squeeze %dma_start3A_669 : memref<1x128xi32, #tpu.memory_space<vmem>> -> memref<128xi32, #tpu.memory_space<vmem>>
      %dma_start3A_671 = arith.constant 0 : i32
      %dma_start3A_672 = arith.constant 0 : i32
      %dma_start3A_673 = tpu.memref_slice %arg4[%dma_start3A_671, %dma_start3A_672] : memref<100000x128xf32, #tpu.memory_space<hbm>> -> memref<100000x128xf32, #tpu.memory_space<hbm>>
      tpu.enqueue_indirect_dma source(%dma_start3A_673 : memref<100000x128xf32, #tpu.memory_space<hbm>>) target(%arg9 : memref<128x128xf32, #tpu.memory_space<vmem>>) offsets(%dma_start3A_670 : memref<128xi32, #tpu.memory_space<vmem>>) semaphore(%arg14 : memref<!tpu.dma_semaphore, #tpu.memory_space<semaphore_mem>>)
      %add3A_674 = arith.constant 4 : i32
      %add3A_675 = arith.addi %add3A_538, %add3A_674 : i32
      %dma_wait3A_676 = arith.constant 0 : i32
      %dma_wait3A_677 = tpu.memref_slice %arg8[%add3A_675, %dma_wait3A_676] : memref<200x128xi32, #tpu.memory_space<vmem>> -> memref<1x128xi32, #tpu.memory_space<vmem>>
      %dma_wait3A_678 = tpu.memref_squeeze %dma_wait3A_677 : memref<1x128xi32, #tpu.memory_space<vmem>> -> memref<128xi32, #tpu.memory_space<vmem>>
      %dma_wait3A_679 = arith.constant 0 : i32
      %dma_wait3A_680 = arith.constant 0 : i32
      %dma_wait3A_681 = tpu.memref_slice %arg4[%dma_wait3A_679, %dma_wait3A_680] : memref<100000x128xf32, #tpu.memory_space<hbm>> -> memref<100000x128xf32, #tpu.memory_space<hbm>>
      tpu.wait_indirect_dma semaphore(%arg18 : memref<!tpu.dma_semaphore, #tpu.memory_space<semaphore_mem>>) src(%dma_wait3A_681 : memref<100000x128xf32, #tpu.memory_space<hbm>>) dst(%arg13 : memref<128x128xf32, #tpu.memory_space<vmem>>)
      %mul3A_682 = arith.constant 128 : i32
      %mul3A_683 = arith.muli %add3A_675, %mul3A_682 : i32
      %add3A_684 = arith.addi %mul3A_2, %mul3A_683 : i32
      %dma_start3A_685 = arith.constant 0 : i32
      %dma_start3A_686 = tpu.memref_slice %arg6[%add3A_684, %dma_start3A_685] : memref<819200x128xf32, #tpu.memory_space<hbm>> -> memref<128x128xf32, #tpu.memory_space<hbm>>
      %dma_start3A_687 = arith.constant 0 : i32
      %dma_start3A_688 = tpu.memref_slice %arg6[%add3A_684, %dma_start3A_687] : memref<819200x128xf32, #tpu.memory_space<hbm>> -> memref<128x128xf32, #tpu.memory_space<hbm>>
      tpu.enqueue_dma source(%arg13 : memref<128x128xf32, #tpu.memory_space<vmem>>) target(%dma_start3A_688 : memref<128x128xf32, #tpu.memory_space<hbm>>) target_semaphore(%arg23 : memref<!tpu.dma_semaphore, #tpu.memory_space<semaphore_mem>>)
      %add3A_689 = arith.constant 2 : i32
      %add3A_690 = arith.addi %add3A_675, %add3A_689 : i32
      %sub3A_691 = arith.constant 5 : i32
      %sub3A_692 = arith.subi %add3A_690, %sub3A_691 : i32
      %mul3A_693 = arith.constant 128 : i32
      %mul3A_694 = arith.muli %sub3A_692, %mul3A_693 : i32
      %add3A_695 = arith.addi %mul3A_2, %mul3A_694 : i32
      %dma_wait3A_696 = arith.constant 0 : i32
      %dma_wait3A_697 = tpu.memref_slice %arg6[%add3A_695, %dma_wait3A_696] : memref<819200x128xf32, #tpu.memory_space<hbm>> -> memref<128x128xf32, #tpu.memory_space<hbm>>
      %dma_wait3A_698 = arith.constant 0 : i32
      %dma_wait3A_699 = tpu.memref_slice %arg6[%add3A_695, %dma_wait3A_698] : memref<819200x128xf32, #tpu.memory_space<hbm>> -> memref<128x128xf32, #tpu.memory_space<hbm>>
      tpu.wait_dma2 semaphore(%arg20 : memref<!tpu.dma_semaphore, #tpu.memory_space<semaphore_mem>>) src(%arg10 : memref<128x128xf32, #tpu.memory_space<vmem>>) dst(%dma_wait3A_699 : memref<128x128xf32, #tpu.memory_space<hbm>>)
      %add3A_700 = arith.constant 2 : i32
      %add3A_701 = arith.addi %add3A_675, %add3A_700 : i32
      %dma_start3A_702 = arith.constant 0 : i32
      %dma_start3A_703 = tpu.memref_slice %arg8[%add3A_701, %dma_start3A_702] : memref<200x128xi32, #tpu.memory_space<vmem>> -> memref<1x128xi32, #tpu.memory_space<vmem>>
      %dma_start3A_704 = tpu.memref_squeeze %dma_start3A_703 : memref<1x128xi32, #tpu.memory_space<vmem>> -> memref<128xi32, #tpu.memory_space<vmem>>
      %dma_start3A_705 = arith.constant 0 : i32
      %dma_start3A_706 = arith.constant 0 : i32
      %dma_start3A_707 = tpu.memref_slice %arg4[%dma_start3A_705, %dma_start3A_706] : memref<100000x128xf32, #tpu.memory_space<hbm>> -> memref<100000x128xf32, #tpu.memory_space<hbm>>
      tpu.enqueue_indirect_dma source(%dma_start3A_707 : memref<100000x128xf32, #tpu.memory_space<hbm>>) target(%arg10 : memref<128x128xf32, #tpu.memory_space<vmem>>) offsets(%dma_start3A_704 : memref<128xi32, #tpu.memory_space<vmem>>) semaphore(%arg15 : memref<!tpu.dma_semaphore, #tpu.memory_space<semaphore_mem>>)
    }
    %scan3A_132 = arith.constant 38 : i32
    %dma_wait3A_133 = arith.constant 195 : i32
    %dma_wait3A_134 = arith.constant 0 : i32
    %dma_wait3A_135 = tpu.memref_slice %arg8[%dma_wait3A_133, %dma_wait3A_134] : memref<200x128xi32, #tpu.memory_space<vmem>> -> memref<1x128xi32, #tpu.memory_space<vmem>>
    %dma_wait3A_136 = tpu.memref_squeeze %dma_wait3A_135 : memref<1x128xi32, #tpu.memory_space<vmem>> -> memref<128xi32, #tpu.memory_space<vmem>>
    %dma_wait3A_137 = arith.constant 0 : i32
    %dma_wait3A_138 = arith.constant 0 : i32
    %dma_wait3A_139 = tpu.memref_slice %arg4[%dma_wait3A_137, %dma_wait3A_138] : memref<100000x128xf32, #tpu.memory_space<hbm>> -> memref<100000x128xf32, #tpu.memory_space<hbm>>
    tpu.wait_indirect_dma semaphore(%arg14 : memref<!tpu.dma_semaphore, #tpu.memory_space<semaphore_mem>>) src(%dma_wait3A_139 : memref<100000x128xf32, #tpu.memory_space<hbm>>) dst(%arg9 : memref<128x128xf32, #tpu.memory_space<vmem>>)
    %add3A_140 = arith.constant 24960 : i32
    %add3A_141 = arith.addi %mul3A_2, %add3A_140 : i32
    %dma_start3A_142 = arith.constant 0 : i32
    %dma_start3A_143 = tpu.memref_slice %arg6[%add3A_141, %dma_start3A_142] : memref<819200x128xf32, #tpu.memory_space<hbm>> -> memref<128x128xf32, #tpu.memory_space<hbm>>
    %dma_start3A_144 = arith.constant 0 : i32
    %dma_start3A_145 = tpu.memref_slice %arg6[%add3A_141, %dma_start3A_144] : memref<819200x128xf32, #tpu.memory_space<hbm>> -> memref<128x128xf32, #tpu.memory_space<hbm>>
    tpu.enqueue_dma source(%arg9 : memref<128x128xf32, #tpu.memory_space<vmem>>) target(%dma_start3A_145 : memref<128x128xf32, #tpu.memory_space<hbm>>) target_semaphore(%arg19 : memref<!tpu.dma_semaphore, #tpu.memory_space<semaphore_mem>>)
    %add3A_146 = arith.constant 24576 : i32
    %add3A_147 = arith.addi %mul3A_2, %add3A_146 : i32
    %dma_wait3A_148 = arith.constant 0 : i32
    %dma_wait3A_149 = tpu.memref_slice %arg6[%add3A_147, %dma_wait3A_148] : memref<819200x128xf32, #tpu.memory_space<hbm>> -> memref<128x128xf32, #tpu.memory_space<hbm>>
    %dma_wait3A_150 = arith.constant 0 : i32
    %dma_wait3A_151 = tpu.memref_slice %arg6[%add3A_147, %dma_wait3A_150] : memref<819200x128xf32, #tpu.memory_space<hbm>> -> memref<128x128xf32, #tpu.memory_space<hbm>>
    tpu.wait_dma2 semaphore(%arg21 : memref<!tpu.dma_semaphore, #tpu.memory_space<semaphore_mem>>) src(%arg11 : memref<128x128xf32, #tpu.memory_space<vmem>>) dst(%dma_wait3A_151 : memref<128x128xf32, #tpu.memory_space<hbm>>)
    %dma_start3A_152 = arith.constant 197 : i32
    %dma_start3A_153 = arith.constant 0 : i32
    %dma_start3A_154 = tpu.memref_slice %arg8[%dma_start3A_152, %dma_start3A_153] : memref<200x128xi32, #tpu.memory_space<vmem>> -> memref<1x128xi32, #tpu.memory_space<vmem>>
    %dma_start3A_155 = tpu.memref_squeeze %dma_start3A_154 : memref<1x128xi32, #tpu.memory_space<vmem>> -> memref<128xi32, #tpu.memory_space<vmem>>
    %dma_start3A_156 = arith.constant 0 : i32
    %dma_start3A_157 = arith.constant 0 : i32
    %dma_start3A_158 = tpu.memref_slice %arg4[%dma_start3A_156, %dma_start3A_157] : memref<100000x128xf32, #tpu.memory_space<hbm>> -> memref<100000x128xf32, #tpu.memory_space<hbm>>
    tpu.enqueue_indirect_dma source(%dma_start3A_158 : memref<100000x128xf32, #tpu.memory_space<hbm>>) target(%arg11 : memref<128x128xf32, #tpu.memory_space<vmem>>) offsets(%dma_start3A_155 : memref<128xi32, #tpu.memory_space<vmem>>) semaphore(%arg16 : memref<!tpu.dma_semaphore, #tpu.memory_space<semaphore_mem>>)
    %dma_wait3A_159 = arith.constant 196 : i32
    %dma_wait3A_160 = arith.constant 0 : i32
    %dma_wait3A_161 = tpu.memref_slice %arg8[%dma_wait3A_159, %dma_wait3A_160] : memref<200x128xi32, #tpu.memory_space<vmem>> -> memref<1x128xi32, #tpu.memory_space<vmem>>
    %dma_wait3A_162 = tpu.memref_squeeze %dma_wait3A_161 : memref<1x128xi32, #tpu.memory_space<vmem>> -> memref<128xi32, #tpu.memory_space<vmem>>
    %dma_wait3A_163 = arith.constant 0 : i32
    %dma_wait3A_164 = arith.constant 0 : i32
    %dma_wait3A_165 = tpu.memref_slice %arg4[%dma_wait3A_163, %dma_wait3A_164] : memref<100000x128xf32, #tpu.memory_space<hbm>> -> memref<100000x128xf32, #tpu.memory_space<hbm>>
    tpu.wait_indirect_dma semaphore(%arg15 : memref<!tpu.dma_semaphore, #tpu.memory_space<semaphore_mem>>) src(%dma_wait3A_165 : memref<100000x128xf32, #tpu.memory_space<hbm>>) dst(%arg10 : memref<128x128xf32, #tpu.memory_space<vmem>>)
    %add3A_166 = arith.constant 25088 : i32
    %add3A_167 = arith.addi %mul3A_2, %add3A_166 : i32
    %dma_start3A_168 = arith.constant 0 : i32
    %dma_start3A_169 = tpu.memref_slice %arg6[%add3A_167, %dma_start3A_168] : memref<819200x128xf32, #tpu.memory_space<hbm>> -> memref<128x128xf32, #tpu.memory_space<hbm>>
    %dma_start3A_170 = arith.constant 0 : i32
    %dma_start3A_171 = tpu.memref_slice %arg6[%add3A_167, %dma_start3A_170] : memref<819200x128xf32, #tpu.memory_space<hbm>> -> memref<128x128xf32, #tpu.memory_space<hbm>>
    tpu.enqueue_dma source(%arg10 : memref<128x128xf32, #tpu.memory_space<vmem>>) target(%dma_start3A_171 : memref<128x128xf32, #tpu.memory_space<hbm>>) target_semaphore(%arg20 : memref<!tpu.dma_semaphore, #tpu.memory_space<semaphore_mem>>)
    %add3A_172 = arith.constant 24704 : i32
    %add3A_173 = arith.addi %mul3A_2, %add3A_172 : i32
    %dma_wait3A_174 = arith.constant 0 : i32
    %dma_wait3A_175 = tpu.memref_slice %arg6[%add3A_173, %dma_wait3A_174] : memref<819200x128xf32, #tpu.memory_space<hbm>> -> memref<128x128xf32, #tpu.memory_space<hbm>>
    %dma_wait3A_176 = arith.constant 0 : i32
    %dma_wait3A_177 = tpu.memref_slice %arg6[%add3A_173, %dma_wait3A_176] : memref<819200x128xf32, #tpu.memory_space<hbm>> -> memref<128x128xf32, #tpu.memory_space<hbm>>
    tpu.wait_dma2 semaphore(%arg22 : memref<!tpu.dma_semaphore, #tpu.memory_space<semaphore_mem>>) src(%arg12 : memref<128x128xf32, #tpu.memory_space<vmem>>) dst(%dma_wait3A_177 : memref<128x128xf32, #tpu.memory_space<hbm>>)
    %dma_start3A_178 = arith.constant 198 : i32
    %dma_start3A_179 = arith.constant 0 : i32
    %dma_start3A_180 = tpu.memref_slice %arg8[%dma_start3A_178, %dma_start3A_179] : memref<200x128xi32, #tpu.memory_space<vmem>> -> memref<1x128xi32, #tpu.memory_space<vmem>>
    %dma_start3A_181 = tpu.memref_squeeze %dma_start3A_180 : memref<1x128xi32, #tpu.memory_space<vmem>> -> memref<128xi32, #tpu.memory_space<vmem>>
    %dma_start3A_182 = arith.constant 0 : i32
    %dma_start3A_183 = arith.constant 0 : i32
    %dma_start3A_184 = tpu.memref_slice %arg4[%dma_start3A_182, %dma_start3A_183] : memref<100000x128xf32, #tpu.memory_space<hbm>> -> memref<100000x128xf32, #tpu.memory_space<hbm>>
    tpu.enqueue_indirect_dma source(%dma_start3A_184 : memref<100000x128xf32, #tpu.memory_space<hbm>>) target(%arg12 : memref<128x128xf32, #tpu.memory_space<vmem>>) offsets(%dma_start3A_181 : memref<128xi32, #tpu.memory_space<vmem>>) semaphore(%arg17 : memref<!tpu.dma_semaphore, #tpu.memory_space<semaphore_mem>>)
    %dma_wait3A_185 = arith.constant 197 : i32
    %dma_wait3A_186 = arith.constant 0 : i32
    %dma_wait3A_187 = tpu.memref_slice %arg8[%dma_wait3A_185, %dma_wait3A_186] : memref<200x128xi32, #tpu.memory_space<vmem>> -> memref<1x128xi32, #tpu.memory_space<vmem>>
    %dma_wait3A_188 = tpu.memref_squeeze %dma_wait3A_187 : memref<1x128xi32, #tpu.memory_space<vmem>> -> memref<128xi32, #tpu.memory_space<vmem>>
    %dma_wait3A_189 = arith.constant 0 : i32
    %dma_wait3A_190 = arith.constant 0 : i32
    %dma_wait3A_191 = tpu.memref_slice %arg4[%dma_wait3A_189, %dma_wait3A_190] : memref<100000x128xf32, #tpu.memory_space<hbm>> -> memref<100000x128xf32, #tpu.memory_space<hbm>>
    tpu.wait_indirect_dma semaphore(%arg16 : memref<!tpu.dma_semaphore, #tpu.memory_space<semaphore_mem>>) src(%dma_wait3A_191 : memref<100000x128xf32, #tpu.memory_space<hbm>>) dst(%arg11 : memref<128x128xf32, #tpu.memory_space<vmem>>)
    %add3A_192 = arith.constant 25216 : i32
    %add3A_193 = arith.addi %mul3A_2, %add3A_192 : i32
    %dma_start3A_194 = arith.constant 0 : i32
    %dma_start3A_195 = tpu.memref_slice %arg6[%add3A_193, %dma_start3A_194] : memref<819200x128xf32, #tpu.memory_space<hbm>> -> memref<128x128xf32, #tpu.memory_space<hbm>>
    %dma_start3A_196 = arith.constant 0 : i32
    %dma_start3A_197 = tpu.memref_slice %arg6[%add3A_193, %dma_start3A_196] : memref<819200x128xf32, #tpu.memory_space<hbm>> -> memref<128x128xf32, #tpu.memory_space<hbm>>
    tpu.enqueue_dma source(%arg11 : memref<128x128xf32, #tpu.memory_space<vmem>>) target(%dma_start3A_197 : memref<128x128xf32, #tpu.memory_space<hbm>>) target_semaphore(%arg21 : memref<!tpu.dma_semaphore, #tpu.memory_space<semaphore_mem>>)
    %add3A_198 = arith.constant 24832 : i32
    %add3A_199 = arith.addi %mul3A_2, %add3A_198 : i32
    %dma_wait3A_200 = arith.constant 0 : i32
    %dma_wait3A_201 = tpu.memref_slice %arg6[%add3A_199, %dma_wait3A_200] : memref<819200x128xf32, #tpu.memory_space<hbm>> -> memref<128x128xf32, #tpu.memory_space<hbm>>
    %dma_wait3A_202 = arith.constant 0 : i32
    %dma_wait3A_203 = tpu.memref_slice %arg6[%add3A_199, %dma_wait3A_202] : memref<819200x128xf32, #tpu.memory_space<hbm>> -> memref<128x128xf32, #tpu.memory_space<hbm>>
    tpu.wait_dma2 semaphore(%arg23 : memref<!tpu.dma_semaphore, #tpu.memory_space<semaphore_mem>>) src(%arg13 : memref<128x128xf32, #tpu.memory_space<vmem>>) dst(%dma_wait3A_203 : memref<128x128xf32, #tpu.memory_space<hbm>>)
    %dma_start3A_204 = arith.constant 199 : i32
    %dma_start3A_205 = arith.constant 0 : i32
    %dma_start3A_206 = tpu.memref_slice %arg8[%dma_start3A_204, %dma_start3A_205] : memref<200x128xi32, #tpu.memory_space<vmem>> -> memref<1x128xi32, #tpu.memory_space<vmem>>
    %dma_start3A_207 = tpu.memref_squeeze %dma_start3A_206 : memref<1x128xi32, #tpu.memory_space<vmem>> -> memref<128xi32, #tpu.memory_space<vmem>>
    %dma_start3A_208 = arith.constant 0 : i32
    %dma_start3A_209 = arith.constant 0 : i32
    %dma_start3A_210 = tpu.memref_slice %arg4[%dma_start3A_208, %dma_start3A_209] : memref<100000x128xf32, #tpu.memory_space<hbm>> -> memref<100000x128xf32, #tpu.memory_space<hbm>>
    tpu.enqueue_indirect_dma source(%dma_start3A_210 : memref<100000x128xf32, #tpu.memory_space<hbm>>) target(%arg13 : memref<128x128xf32, #tpu.memory_space<vmem>>) offsets(%dma_start3A_207 : memref<128xi32, #tpu.memory_space<vmem>>) semaphore(%arg18 : memref<!tpu.dma_semaphore, #tpu.memory_space<semaphore_mem>>)
    %dma_wait3A_211 = arith.constant 198 : i32
    %dma_wait3A_212 = arith.constant 0 : i32
    %dma_wait3A_213 = tpu.memref_slice %arg8[%dma_wait3A_211, %dma_wait3A_212] : memref<200x128xi32, #tpu.memory_space<vmem>> -> memref<1x128xi32, #tpu.memory_space<vmem>>
    %dma_wait3A_214 = tpu.memref_squeeze %dma_wait3A_213 : memref<1x128xi32, #tpu.memory_space<vmem>> -> memref<128xi32, #tpu.memory_space<vmem>>
    %dma_wait3A_215 = arith.constant 0 : i32
    %dma_wait3A_216 = arith.constant 0 : i32
    %dma_wait3A_217 = tpu.memref_slice %arg4[%dma_wait3A_215, %dma_wait3A_216] : memref<100000x128xf32, #tpu.memory_space<hbm>> -> memref<100000x128xf32, #tpu.memory_space<hbm>>
    tpu.wait_indirect_dma semaphore(%arg17 : memref<!tpu.dma_semaphore, #tpu.memory_space<semaphore_mem>>) src(%dma_wait3A_217 : memref<100000x128xf32, #tpu.memory_space<hbm>>) dst(%arg12 : memref<128x128xf32, #tpu.memory_space<vmem>>)
    %add3A_218 = arith.constant 25344 : i32
    %add3A_219 = arith.addi %mul3A_2, %add3A_218 : i32
    %dma_start3A_220 = arith.constant 0 : i32
    %dma_start3A_221 = tpu.memref_slice %arg6[%add3A_219, %dma_start3A_220] : memref<819200x128xf32, #tpu.memory_space<hbm>> -> memref<128x128xf32, #tpu.memory_space<hbm>>
    %dma_start3A_222 = arith.constant 0 : i32
    %dma_start3A_223 = tpu.memref_slice %arg6[%add3A_219, %dma_start3A_222] : memref<819200x128xf32, #tpu.memory_space<hbm>> -> memref<128x128xf32, #tpu.memory_space<hbm>>
    tpu.enqueue_dma source(%arg12 : memref<128x128xf32, #tpu.memory_space<vmem>>) target(%dma_start3A_223 : memref<128x128xf32, #tpu.memory_space<hbm>>) target_semaphore(%arg22 : memref<!tpu.dma_semaphore, #tpu.memory_space<semaphore_mem>>)
    %add3A_224 = arith.constant 24960 : i32
    %add3A_225 = arith.addi %mul3A_2, %add3A_224 : i32
    %dma_wait3A_226 = arith.constant 0 : i32
    %dma_wait3A_227 = tpu.memref_slice %arg6[%add3A_225, %dma_wait3A_226] : memref<819200x128xf32, #tpu.memory_space<hbm>> -> memref<128x128xf32, #tpu.memory_space<hbm>>
    %dma_wait3A_228 = arith.constant 0 : i32
    %dma_wait3A_229 = tpu.memref_slice %arg6[%add3A_225, %dma_wait3A_228] : memref<819200x128xf32, #tpu.memory_space<hbm>> -> memref<128x128xf32, #tpu.memory_space<hbm>>
    tpu.wait_dma2 semaphore(%arg19 : memref<!tpu.dma_semaphore, #tpu.memory_space<semaphore_mem>>) src(%arg9 : memref<128x128xf32, #tpu.memory_space<vmem>>) dst(%dma_wait3A_229 : memref<128x128xf32, #tpu.memory_space<hbm>>)
    %dma_wait3A_230 = arith.constant 199 : i32
    %dma_wait3A_231 = arith.constant 0 : i32
    %dma_wait3A_232 = tpu.memref_slice %arg8[%dma_wait3A_230, %dma_wait3A_231] : memref<200x128xi32, #tpu.memory_space<vmem>> -> memref<1x128xi32, #tpu.memory_space<vmem>>
    %dma_wait3A_233 = tpu.memref_squeeze %dma_wait3A_232 : memref<1x128xi32, #tpu.memory_space<vmem>> -> memref<128xi32, #tpu.memory_space<vmem>>
    %dma_wait3A_234 = arith.constant 0 : i32
    %dma_wait3A_235 = arith.constant 0 : i32
    %dma_wait3A_236 = tpu.memref_slice %arg4[%dma_wait3A_234, %dma_wait3A_235] : memref<100000x128xf32, #tpu.memory_space<hbm>> -> memref<100000x128xf32, #tpu.memory_space<hbm>>
    tpu.wait_indirect_dma semaphore(%arg18 : memref<!tpu.dma_semaphore, #tpu.memory_space<semaphore_mem>>) src(%dma_wait3A_236 : memref<100000x128xf32, #tpu.memory_space<hbm>>) dst(%arg13 : memref<128x128xf32, #tpu.memory_space<vmem>>)
    %add3A_237 = arith.constant 25472 : i32
    %add3A_238 = arith.addi %mul3A_2, %add3A_237 : i32
    %dma_start3A_239 = arith.constant 0 : i32
    %dma_start3A_240 = tpu.memref_slice %arg6[%add3A_238, %dma_start3A_239] : memref<819200x128xf32, #tpu.memory_space<hbm>> -> memref<128x128xf32, #tpu.memory_space<hbm>>
    %dma_start3A_241 = arith.constant 0 : i32
    %dma_start3A_242 = tpu.memref_slice %arg6[%add3A_238, %dma_start3A_241] : memref<819200x128xf32, #tpu.memory_space<hbm>> -> memref<128x128xf32, #tpu.memory_space<hbm>>
    tpu.enqueue_dma source(%arg13 : memref<128x128xf32, #tpu.memory_space<vmem>>) target(%dma_start3A_242 : memref<128x128xf32, #tpu.memory_space<hbm>>) target_semaphore(%arg23 : memref<!tpu.dma_semaphore, #tpu.memory_space<semaphore_mem>>)
    %add3A_243 = arith.constant 25088 : i32
    %add3A_244 = arith.addi %mul3A_2, %add3A_243 : i32
    %dma_wait3A_245 = arith.constant 0 : i32
    %dma_wait3A_246 = tpu.memref_slice %arg6[%add3A_244, %dma_wait3A_245] : memref<819200x128xf32, #tpu.memory_space<hbm>> -> memref<128x128xf32, #tpu.memory_space<hbm>>
    %dma_wait3A_247 = arith.constant 0 : i32
    %dma_wait3A_248 = tpu.memref_slice %arg6[%add3A_244, %dma_wait3A_247] : memref<819200x128xf32, #tpu.memory_space<hbm>> -> memref<128x128xf32, #tpu.memory_space<hbm>>
    tpu.wait_dma2 semaphore(%arg20 : memref<!tpu.dma_semaphore, #tpu.memory_space<semaphore_mem>>) src(%arg10 : memref<128x128xf32, #tpu.memory_space<vmem>>) dst(%dma_wait3A_248 : memref<128x128xf32, #tpu.memory_space<hbm>>)
    %add3A_249 = arith.constant 25216 : i32
    %add3A_250 = arith.addi %mul3A_2, %add3A_249 : i32
    %dma_wait3A_251 = arith.constant 0 : i32
    %dma_wait3A_252 = tpu.memref_slice %arg6[%add3A_250, %dma_wait3A_251] : memref<819200x128xf32, #tpu.memory_space<hbm>> -> memref<128x128xf32, #tpu.memory_space<hbm>>
    %dma_wait3A_253 = arith.constant 0 : i32
    %dma_wait3A_254 = tpu.memref_slice %arg6[%add3A_250, %dma_wait3A_253] : memref<819200x128xf32, #tpu.memory_space<hbm>> -> memref<128x128xf32, #tpu.memory_space<hbm>>
    tpu.wait_dma2 semaphore(%arg21 : memref<!tpu.dma_semaphore, #tpu.memory_space<semaphore_mem>>) src(%arg11 : memref<128x128xf32, #tpu.memory_space<vmem>>) dst(%dma_wait3A_254 : memref<128x128xf32, #tpu.memory_space<hbm>>)
    %add3A_255 = arith.constant 25344 : i32
    %add3A_256 = arith.addi %mul3A_2, %add3A_255 : i32
    %dma_wait3A_257 = arith.constant 0 : i32
    %dma_wait3A_258 = tpu.memref_slice %arg6[%add3A_256, %dma_wait3A_257] : memref<819200x128xf32, #tpu.memory_space<hbm>> -> memref<128x128xf32, #tpu.memory_space<hbm>>
    %dma_wait3A_259 = arith.constant 0 : i32
    %dma_wait3A_260 = tpu.memref_slice %arg6[%add3A_256, %dma_wait3A_259] : memref<819200x128xf32, #tpu.memory_space<hbm>> -> memref<128x128xf32, #tpu.memory_space<hbm>>
    tpu.wait_dma2 semaphore(%arg22 : memref<!tpu.dma_semaphore, #tpu.memory_space<semaphore_mem>>) src(%arg12 : memref<128x128xf32, #tpu.memory_space<vmem>>) dst(%dma_wait3A_260 : memref<128x128xf32, #tpu.memory_space<hbm>>)
    %add3A_261 = arith.constant 25472 : i32
    %add3A_262 = arith.addi %mul3A_2, %add3A_261 : i32
    %dma_wait3A_263 = arith.constant 0 : i32
    %dma_wait3A_264 = tpu.memref_slice %arg6[%add3A_262, %dma_wait3A_263] : memref<819200x128xf32, #tpu.memory_space<hbm>> -> memref<128x128xf32, #tpu.memory_space<hbm>>
    %dma_wait3A_265 = arith.constant 0 : i32
    %dma_wait3A_266 = tpu.memref_slice %arg6[%add3A_262, %dma_wait3A_265] : memref<819200x128xf32, #tpu.memory_space<hbm>> -> memref<128x128xf32, #tpu.memory_space<hbm>>
    tpu.wait_dma2 semaphore(%arg23 : memref<!tpu.dma_semaphore, #tpu.memory_space<semaphore_mem>>) src(%arg13 : memref<128x128xf32, #tpu.memory_space<vmem>>) dst(%dma_wait3A_266 : memref<128x128xf32, #tpu.memory_space<hbm>>)
    %mul3A_267 = arith.constant 200 : i32
    %mul3A_268 = arith.muli %add3A, %mul3A_267 : i32
    "tpu.region"() ({
      %run_scoped3A = tpu.sem_alloc : memref<!tpu.dma_semaphore, #tpu.memory_space<semaphore_mem>>
      %dma_start3A_534 = arith.constant 0 : i32
      %dma_start3A_535 = tpu.memref_slice %arg3[%mul3A_268, %dma_start3A_534] : memref<6400x128xi32, #tpu.memory_space<hbm>> -> memref<200x128xi32, #tpu.memory_space<hbm>>
      %dma_start3A_536 = arith.constant 0 : i32
      %dma_start3A_537 = tpu.memref_slice %arg3[%mul3A_268, %dma_start3A_536] : memref<6400x128xi32, #tpu.memory_space<hbm>> -> memref<200x128xi32, #tpu.memory_space<hbm>>
      tpu.enqueue_dma source(%dma_start3A_537 : memref<200x128xi32, #tpu.memory_space<hbm>>) target(%arg8 : memref<200x128xi32, #tpu.memory_space<vmem>>) target_semaphore(%run_scoped3A : memref<!tpu.dma_semaphore, #tpu.memory_space<semaphore_mem>>)
      %dma_wait3A_538 = arith.constant 0 : i32
      %dma_wait3A_539 = tpu.memref_slice %arg3[%mul3A_268, %dma_wait3A_538] : memref<6400x128xi32, #tpu.memory_space<hbm>> -> memref<200x128xi32, #tpu.memory_space<hbm>>
      %dma_wait3A_540 = arith.constant 0 : i32
      %dma_wait3A_541 = tpu.memref_slice %arg3[%mul3A_268, %dma_wait3A_540] : memref<6400x128xi32, #tpu.memory_space<hbm>> -> memref<200x128xi32, #tpu.memory_space<hbm>>
      tpu.wait_dma2 semaphore(%run_scoped3A : memref<!tpu.dma_semaphore, #tpu.memory_space<semaphore_mem>>) src(%dma_wait3A_541 : memref<200x128xi32, #tpu.memory_space<hbm>>) dst(%arg8 : memref<200x128xi32, #tpu.memory_space<vmem>>)
      tpu.yield
    }) : () -> ()
    %dma_start3A_269 = arith.constant 0 : i32
    %dma_start3A_270 = arith.constant 0 : i32
    %dma_start3A_271 = tpu.memref_slice %arg8[%dma_start3A_269, %dma_start3A_270] : memref<200x128xi32, #tpu.memory_space<vmem>> -> memref<1x128xi32, #tpu.memory_space<vmem>>
    %dma_start3A_272 = tpu.memref_squeeze %dma_start3A_271 : memref<1x128xi32, #tpu.memory_space<vmem>> -> memref<128xi32, #tpu.memory_space<vmem>>
    %dma_start3A_273 = arith.constant 0 : i32
    %dma_start3A_274 = arith.constant 0 : i32
    %dma_start3A_275 = tpu.memref_slice %arg5[%dma_start3A_273, %dma_start3A_274] : memref<100000x128xf32, #tpu.memory_space<hbm>> -> memref<100000x128xf32, #tpu.memory_space<hbm>>
    tpu.enqueue_indirect_dma source(%dma_start3A_275 : memref<100000x128xf32, #tpu.memory_space<hbm>>) target(%arg9 : memref<128x128xf32, #tpu.memory_space<vmem>>) offsets(%dma_start3A_272 : memref<128xi32, #tpu.memory_space<vmem>>) semaphore(%arg14 : memref<!tpu.dma_semaphore, #tpu.memory_space<semaphore_mem>>)
    %dma_start3A_276 = arith.constant 1 : i32
    %dma_start3A_277 = arith.constant 0 : i32
    %dma_start3A_278 = tpu.memref_slice %arg8[%dma_start3A_276, %dma_start3A_277] : memref<200x128xi32, #tpu.memory_space<vmem>> -> memref<1x128xi32, #tpu.memory_space<vmem>>
    %dma_start3A_279 = tpu.memref_squeeze %dma_start3A_278 : memref<1x128xi32, #tpu.memory_space<vmem>> -> memref<128xi32, #tpu.memory_space<vmem>>
    %dma_start3A_280 = arith.constant 0 : i32
    %dma_start3A_281 = arith.constant 0 : i32
    %dma_start3A_282 = tpu.memref_slice %arg5[%dma_start3A_280, %dma_start3A_281] : memref<100000x128xf32, #tpu.memory_space<hbm>> -> memref<100000x128xf32, #tpu.memory_space<hbm>>
    tpu.enqueue_indirect_dma source(%dma_start3A_282 : memref<100000x128xf32, #tpu.memory_space<hbm>>) target(%arg10 : memref<128x128xf32, #tpu.memory_space<vmem>>) offsets(%dma_start3A_279 : memref<128xi32, #tpu.memory_space<vmem>>) semaphore(%arg15 : memref<!tpu.dma_semaphore, #tpu.memory_space<semaphore_mem>>)
    %dma_wait3A_283 = arith.constant 0 : i32
    %dma_wait3A_284 = arith.constant 0 : i32
    %dma_wait3A_285 = tpu.memref_slice %arg8[%dma_wait3A_283, %dma_wait3A_284] : memref<200x128xi32, #tpu.memory_space<vmem>> -> memref<1x128xi32, #tpu.memory_space<vmem>>
    %dma_wait3A_286 = tpu.memref_squeeze %dma_wait3A_285 : memref<1x128xi32, #tpu.memory_space<vmem>> -> memref<128xi32, #tpu.memory_space<vmem>>
    %dma_wait3A_287 = arith.constant 0 : i32
    %dma_wait3A_288 = arith.constant 0 : i32
    %dma_wait3A_289 = tpu.memref_slice %arg5[%dma_wait3A_287, %dma_wait3A_288] : memref<100000x128xf32, #tpu.memory_space<hbm>> -> memref<100000x128xf32, #tpu.memory_space<hbm>>
    tpu.wait_indirect_dma semaphore(%arg14 : memref<!tpu.dma_semaphore, #tpu.memory_space<semaphore_mem>>) src(%dma_wait3A_289 : memref<100000x128xf32, #tpu.memory_space<hbm>>) dst(%arg9 : memref<128x128xf32, #tpu.memory_space<vmem>>)
    %add3A_290 = arith.constant 0 : i32
    %add3A_291 = arith.addi %mul3A_2, %add3A_290 : i32
    %dma_start3A_292 = arith.constant 0 : i32
    %dma_start3A_293 = tpu.memref_slice %arg7[%add3A_291, %dma_start3A_292] : memref<819200x128xf32, #tpu.memory_space<hbm>> -> memref<128x128xf32, #tpu.memory_space<hbm>>
    %dma_start3A_294 = arith.constant 0 : i32
    %dma_start3A_295 = tpu.memref_slice %arg7[%add3A_291, %dma_start3A_294] : memref<819200x128xf32, #tpu.memory_space<hbm>> -> memref<128x128xf32, #tpu.memory_space<hbm>>
    tpu.enqueue_dma source(%arg9 : memref<128x128xf32, #tpu.memory_space<vmem>>) target(%dma_start3A_295 : memref<128x128xf32, #tpu.memory_space<hbm>>) target_semaphore(%arg19 : memref<!tpu.dma_semaphore, #tpu.memory_space<semaphore_mem>>)
    %dma_start3A_296 = arith.constant 2 : i32
    %dma_start3A_297 = arith.constant 0 : i32
    %dma_start3A_298 = tpu.memref_slice %arg8[%dma_start3A_296, %dma_start3A_297] : memref<200x128xi32, #tpu.memory_space<vmem>> -> memref<1x128xi32, #tpu.memory_space<vmem>>
    %dma_start3A_299 = tpu.memref_squeeze %dma_start3A_298 : memref<1x128xi32, #tpu.memory_space<vmem>> -> memref<128xi32, #tpu.memory_space<vmem>>
    %dma_start3A_300 = arith.constant 0 : i32
    %dma_start3A_301 = arith.constant 0 : i32
    %dma_start3A_302 = tpu.memref_slice %arg5[%dma_start3A_300, %dma_start3A_301] : memref<100000x128xf32, #tpu.memory_space<hbm>> -> memref<100000x128xf32, #tpu.memory_space<hbm>>
    tpu.enqueue_indirect_dma source(%dma_start3A_302 : memref<100000x128xf32, #tpu.memory_space<hbm>>) target(%arg11 : memref<128x128xf32, #tpu.memory_space<vmem>>) offsets(%dma_start3A_299 : memref<128xi32, #tpu.memory_space<vmem>>) semaphore(%arg16 : memref<!tpu.dma_semaphore, #tpu.memory_space<semaphore_mem>>)
    %dma_wait3A_303 = arith.constant 1 : i32
    %dma_wait3A_304 = arith.constant 0 : i32
    %dma_wait3A_305 = tpu.memref_slice %arg8[%dma_wait3A_303, %dma_wait3A_304] : memref<200x128xi32, #tpu.memory_space<vmem>> -> memref<1x128xi32, #tpu.memory_space<vmem>>
    %dma_wait3A_306 = tpu.memref_squeeze %dma_wait3A_305 : memref<1x128xi32, #tpu.memory_space<vmem>> -> memref<128xi32, #tpu.memory_space<vmem>>
    %dma_wait3A_307 = arith.constant 0 : i32
    %dma_wait3A_308 = arith.constant 0 : i32
    %dma_wait3A_309 = tpu.memref_slice %arg5[%dma_wait3A_307, %dma_wait3A_308] : memref<100000x128xf32, #tpu.memory_space<hbm>> -> memref<100000x128xf32, #tpu.memory_space<hbm>>
    tpu.wait_indirect_dma semaphore(%arg15 : memref<!tpu.dma_semaphore, #tpu.memory_space<semaphore_mem>>) src(%dma_wait3A_309 : memref<100000x128xf32, #tpu.memory_space<hbm>>) dst(%arg10 : memref<128x128xf32, #tpu.memory_space<vmem>>)
    %add3A_310 = arith.constant 128 : i32
    %add3A_311 = arith.addi %mul3A_2, %add3A_310 : i32
    %dma_start3A_312 = arith.constant 0 : i32
    %dma_start3A_313 = tpu.memref_slice %arg7[%add3A_311, %dma_start3A_312] : memref<819200x128xf32, #tpu.memory_space<hbm>> -> memref<128x128xf32, #tpu.memory_space<hbm>>
    %dma_start3A_314 = arith.constant 0 : i32
    %dma_start3A_315 = tpu.memref_slice %arg7[%add3A_311, %dma_start3A_314] : memref<819200x128xf32, #tpu.memory_space<hbm>> -> memref<128x128xf32, #tpu.memory_space<hbm>>
    tpu.enqueue_dma source(%arg10 : memref<128x128xf32, #tpu.memory_space<vmem>>) target(%dma_start3A_315 : memref<128x128xf32, #tpu.memory_space<hbm>>) target_semaphore(%arg20 : memref<!tpu.dma_semaphore, #tpu.memory_space<semaphore_mem>>)
    %dma_start3A_316 = arith.constant 3 : i32
    %dma_start3A_317 = arith.constant 0 : i32
    %dma_start3A_318 = tpu.memref_slice %arg8[%dma_start3A_316, %dma_start3A_317] : memref<200x128xi32, #tpu.memory_space<vmem>> -> memref<1x128xi32, #tpu.memory_space<vmem>>
    %dma_start3A_319 = tpu.memref_squeeze %dma_start3A_318 : memref<1x128xi32, #tpu.memory_space<vmem>> -> memref<128xi32, #tpu.memory_space<vmem>>
    %dma_start3A_320 = arith.constant 0 : i32
    %dma_start3A_321 = arith.constant 0 : i32
    %dma_start3A_322 = tpu.memref_slice %arg5[%dma_start3A_320, %dma_start3A_321] : memref<100000x128xf32, #tpu.memory_space<hbm>> -> memref<100000x128xf32, #tpu.memory_space<hbm>>
    tpu.enqueue_indirect_dma source(%dma_start3A_322 : memref<100000x128xf32, #tpu.memory_space<hbm>>) target(%arg12 : memref<128x128xf32, #tpu.memory_space<vmem>>) offsets(%dma_start3A_319 : memref<128xi32, #tpu.memory_space<vmem>>) semaphore(%arg17 : memref<!tpu.dma_semaphore, #tpu.memory_space<semaphore_mem>>)
    %dma_wait3A_323 = arith.constant 2 : i32
    %dma_wait3A_324 = arith.constant 0 : i32
    %dma_wait3A_325 = tpu.memref_slice %arg8[%dma_wait3A_323, %dma_wait3A_324] : memref<200x128xi32, #tpu.memory_space<vmem>> -> memref<1x128xi32, #tpu.memory_space<vmem>>
    %dma_wait3A_326 = tpu.memref_squeeze %dma_wait3A_325 : memref<1x128xi32, #tpu.memory_space<vmem>> -> memref<128xi32, #tpu.memory_space<vmem>>
    %dma_wait3A_327 = arith.constant 0 : i32
    %dma_wait3A_328 = arith.constant 0 : i32
    %dma_wait3A_329 = tpu.memref_slice %arg5[%dma_wait3A_327, %dma_wait3A_328] : memref<100000x128xf32, #tpu.memory_space<hbm>> -> memref<100000x128xf32, #tpu.memory_space<hbm>>
    tpu.wait_indirect_dma semaphore(%arg16 : memref<!tpu.dma_semaphore, #tpu.memory_space<semaphore_mem>>) src(%dma_wait3A_329 : memref<100000x128xf32, #tpu.memory_space<hbm>>) dst(%arg11 : memref<128x128xf32, #tpu.memory_space<vmem>>)
    %add3A_330 = arith.constant 256 : i32
    %add3A_331 = arith.addi %mul3A_2, %add3A_330 : i32
    %dma_start3A_332 = arith.constant 0 : i32
    %dma_start3A_333 = tpu.memref_slice %arg7[%add3A_331, %dma_start3A_332] : memref<819200x128xf32, #tpu.memory_space<hbm>> -> memref<128x128xf32, #tpu.memory_space<hbm>>
    %dma_start3A_334 = arith.constant 0 : i32
    %dma_start3A_335 = tpu.memref_slice %arg7[%add3A_331, %dma_start3A_334] : memref<819200x128xf32, #tpu.memory_space<hbm>> -> memref<128x128xf32, #tpu.memory_space<hbm>>
    tpu.enqueue_dma source(%arg11 : memref<128x128xf32, #tpu.memory_space<vmem>>) target(%dma_start3A_335 : memref<128x128xf32, #tpu.memory_space<hbm>>) target_semaphore(%arg21 : memref<!tpu.dma_semaphore, #tpu.memory_space<semaphore_mem>>)
    %dma_start3A_336 = arith.constant 4 : i32
    %dma_start3A_337 = arith.constant 0 : i32
    %dma_start3A_338 = tpu.memref_slice %arg8[%dma_start3A_336, %dma_start3A_337] : memref<200x128xi32, #tpu.memory_space<vmem>> -> memref<1x128xi32, #tpu.memory_space<vmem>>
    %dma_start3A_339 = tpu.memref_squeeze %dma_start3A_338 : memref<1x128xi32, #tpu.memory_space<vmem>> -> memref<128xi32, #tpu.memory_space<vmem>>
    %dma_start3A_340 = arith.constant 0 : i32
    %dma_start3A_341 = arith.constant 0 : i32
    %dma_start3A_342 = tpu.memref_slice %arg5[%dma_start3A_340, %dma_start3A_341] : memref<100000x128xf32, #tpu.memory_space<hbm>> -> memref<100000x128xf32, #tpu.memory_space<hbm>>
    tpu.enqueue_indirect_dma source(%dma_start3A_342 : memref<100000x128xf32, #tpu.memory_space<hbm>>) target(%arg13 : memref<128x128xf32, #tpu.memory_space<vmem>>) offsets(%dma_start3A_339 : memref<128xi32, #tpu.memory_space<vmem>>) semaphore(%arg18 : memref<!tpu.dma_semaphore, #tpu.memory_space<semaphore_mem>>)
    %dma_wait3A_343 = arith.constant 3 : i32
    %dma_wait3A_344 = arith.constant 0 : i32
    %dma_wait3A_345 = tpu.memref_slice %arg8[%dma_wait3A_343, %dma_wait3A_344] : memref<200x128xi32, #tpu.memory_space<vmem>> -> memref<1x128xi32, #tpu.memory_space<vmem>>
    %dma_wait3A_346 = tpu.memref_squeeze %dma_wait3A_345 : memref<1x128xi32, #tpu.memory_space<vmem>> -> memref<128xi32, #tpu.memory_space<vmem>>
    %dma_wait3A_347 = arith.constant 0 : i32
    %dma_wait3A_348 = arith.constant 0 : i32
    %dma_wait3A_349 = tpu.memref_slice %arg5[%dma_wait3A_347, %dma_wait3A_348] : memref<100000x128xf32, #tpu.memory_space<hbm>> -> memref<100000x128xf32, #tpu.memory_space<hbm>>
    tpu.wait_indirect_dma semaphore(%arg17 : memref<!tpu.dma_semaphore, #tpu.memory_space<semaphore_mem>>) src(%dma_wait3A_349 : memref<100000x128xf32, #tpu.memory_space<hbm>>) dst(%arg12 : memref<128x128xf32, #tpu.memory_space<vmem>>)
    %add3A_350 = arith.constant 384 : i32
    %add3A_351 = arith.addi %mul3A_2, %add3A_350 : i32
    %dma_start3A_352 = arith.constant 0 : i32
    %dma_start3A_353 = tpu.memref_slice %arg7[%add3A_351, %dma_start3A_352] : memref<819200x128xf32, #tpu.memory_space<hbm>> -> memref<128x128xf32, #tpu.memory_space<hbm>>
    %dma_start3A_354 = arith.constant 0 : i32
    %dma_start3A_355 = tpu.memref_slice %arg7[%add3A_351, %dma_start3A_354] : memref<819200x128xf32, #tpu.memory_space<hbm>> -> memref<128x128xf32, #tpu.memory_space<hbm>>
    tpu.enqueue_dma source(%arg12 : memref<128x128xf32, #tpu.memory_space<vmem>>) target(%dma_start3A_355 : memref<128x128xf32, #tpu.memory_space<hbm>>) target_semaphore(%arg22 : memref<!tpu.dma_semaphore, #tpu.memory_space<semaphore_mem>>)
    %add3A_356 = arith.constant 0 : i32
    %add3A_357 = arith.addi %mul3A_2, %add3A_356 : i32
    %dma_wait3A_358 = arith.constant 0 : i32
    %dma_wait3A_359 = tpu.memref_slice %arg7[%add3A_357, %dma_wait3A_358] : memref<819200x128xf32, #tpu.memory_space<hbm>> -> memref<128x128xf32, #tpu.memory_space<hbm>>
    %dma_wait3A_360 = arith.constant 0 : i32
    %dma_wait3A_361 = tpu.memref_slice %arg7[%add3A_357, %dma_wait3A_360] : memref<819200x128xf32, #tpu.memory_space<hbm>> -> memref<128x128xf32, #tpu.memory_space<hbm>>
    tpu.wait_dma2 semaphore(%arg19 : memref<!tpu.dma_semaphore, #tpu.memory_space<semaphore_mem>>) src(%arg9 : memref<128x128xf32, #tpu.memory_space<vmem>>) dst(%dma_wait3A_361 : memref<128x128xf32, #tpu.memory_space<hbm>>)
    %dma_start3A_362 = arith.constant 5 : i32
    %dma_start3A_363 = arith.constant 0 : i32
    %dma_start3A_364 = tpu.memref_slice %arg8[%dma_start3A_362, %dma_start3A_363] : memref<200x128xi32, #tpu.memory_space<vmem>> -> memref<1x128xi32, #tpu.memory_space<vmem>>
    %dma_start3A_365 = tpu.memref_squeeze %dma_start3A_364 : memref<1x128xi32, #tpu.memory_space<vmem>> -> memref<128xi32, #tpu.memory_space<vmem>>
    %dma_start3A_366 = arith.constant 0 : i32
    %dma_start3A_367 = arith.constant 0 : i32
    %dma_start3A_368 = tpu.memref_slice %arg5[%dma_start3A_366, %dma_start3A_367] : memref<100000x128xf32, #tpu.memory_space<hbm>> -> memref<100000x128xf32, #tpu.memory_space<hbm>>
    tpu.enqueue_indirect_dma source(%dma_start3A_368 : memref<100000x128xf32, #tpu.memory_space<hbm>>) target(%arg9 : memref<128x128xf32, #tpu.memory_space<vmem>>) offsets(%dma_start3A_365 : memref<128xi32, #tpu.memory_space<vmem>>) semaphore(%arg14 : memref<!tpu.dma_semaphore, #tpu.memory_space<semaphore_mem>>)
    %dma_wait3A_369 = arith.constant 4 : i32
    %dma_wait3A_370 = arith.constant 0 : i32
    %dma_wait3A_371 = tpu.memref_slice %arg8[%dma_wait3A_369, %dma_wait3A_370] : memref<200x128xi32, #tpu.memory_space<vmem>> -> memref<1x128xi32, #tpu.memory_space<vmem>>
    %dma_wait3A_372 = tpu.memref_squeeze %dma_wait3A_371 : memref<1x128xi32, #tpu.memory_space<vmem>> -> memref<128xi32, #tpu.memory_space<vmem>>
    %dma_wait3A_373 = arith.constant 0 : i32
    %dma_wait3A_374 = arith.constant 0 : i32
    %dma_wait3A_375 = tpu.memref_slice %arg5[%dma_wait3A_373, %dma_wait3A_374] : memref<100000x128xf32, #tpu.memory_space<hbm>> -> memref<100000x128xf32, #tpu.memory_space<hbm>>
    tpu.wait_indirect_dma semaphore(%arg18 : memref<!tpu.dma_semaphore, #tpu.memory_space<semaphore_mem>>) src(%dma_wait3A_375 : memref<100000x128xf32, #tpu.memory_space<hbm>>) dst(%arg13 : memref<128x128xf32, #tpu.memory_space<vmem>>)
    %add3A_376 = arith.constant 512 : i32
    %add3A_377 = arith.addi %mul3A_2, %add3A_376 : i32
    %dma_start3A_378 = arith.constant 0 : i32
    %dma_start3A_379 = tpu.memref_slice %arg7[%add3A_377, %dma_start3A_378] : memref<819200x128xf32, #tpu.memory_space<hbm>> -> memref<128x128xf32, #tpu.memory_space<hbm>>
    %dma_start3A_380 = arith.constant 0 : i32
    %dma_start3A_381 = tpu.memref_slice %arg7[%add3A_377, %dma_start3A_380] : memref<819200x128xf32, #tpu.memory_space<hbm>> -> memref<128x128xf32, #tpu.memory_space<hbm>>
    tpu.enqueue_dma source(%arg13 : memref<128x128xf32, #tpu.memory_space<vmem>>) target(%dma_start3A_381 : memref<128x128xf32, #tpu.memory_space<hbm>>) target_semaphore(%arg23 : memref<!tpu.dma_semaphore, #tpu.memory_space<semaphore_mem>>)
    %add3A_382 = arith.constant 128 : i32
    %add3A_383 = arith.addi %mul3A_2, %add3A_382 : i32
    %dma_wait3A_384 = arith.constant 0 : i32
    %dma_wait3A_385 = tpu.memref_slice %arg7[%add3A_383, %dma_wait3A_384] : memref<819200x128xf32, #tpu.memory_space<hbm>> -> memref<128x128xf32, #tpu.memory_space<hbm>>
    %dma_wait3A_386 = arith.constant 0 : i32
    %dma_wait3A_387 = tpu.memref_slice %arg7[%add3A_383, %dma_wait3A_386] : memref<819200x128xf32, #tpu.memory_space<hbm>> -> memref<128x128xf32, #tpu.memory_space<hbm>>
    tpu.wait_dma2 semaphore(%arg20 : memref<!tpu.dma_semaphore, #tpu.memory_space<semaphore_mem>>) src(%arg10 : memref<128x128xf32, #tpu.memory_space<vmem>>) dst(%dma_wait3A_387 : memref<128x128xf32, #tpu.memory_space<hbm>>)
    %dma_start3A_388 = arith.constant 6 : i32
    %dma_start3A_389 = arith.constant 0 : i32
    %dma_start3A_390 = tpu.memref_slice %arg8[%dma_start3A_388, %dma_start3A_389] : memref<200x128xi32, #tpu.memory_space<vmem>> -> memref<1x128xi32, #tpu.memory_space<vmem>>
    %dma_start3A_391 = tpu.memref_squeeze %dma_start3A_390 : memref<1x128xi32, #tpu.memory_space<vmem>> -> memref<128xi32, #tpu.memory_space<vmem>>
    %dma_start3A_392 = arith.constant 0 : i32
    %dma_start3A_393 = arith.constant 0 : i32
    %dma_start3A_394 = tpu.memref_slice %arg5[%dma_start3A_392, %dma_start3A_393] : memref<100000x128xf32, #tpu.memory_space<hbm>> -> memref<100000x128xf32, #tpu.memory_space<hbm>>
    tpu.enqueue_indirect_dma source(%dma_start3A_394 : memref<100000x128xf32, #tpu.memory_space<hbm>>) target(%arg10 : memref<128x128xf32, #tpu.memory_space<vmem>>) offsets(%dma_start3A_391 : memref<128xi32, #tpu.memory_space<vmem>>) semaphore(%arg15 : memref<!tpu.dma_semaphore, #tpu.memory_space<semaphore_mem>>)
    %scan3A_395 = arith.constant 0 : i32
    %scan3A_396 = arith.constant 38 : i32
    %scan3A_397 = arith.addi %scan3A_395, %scan3A_396 : i32
    %scan3A_398 = arith.constant 1 : i32
    scf.for %scan3A_534 = %scan3A_395 to %scan3A_397 step %scan3A_398  : i32 {
      %mul3A_535 = arith.constant 5 : i32
      %mul3A_536 = arith.muli %scan3A_534, %mul3A_535 : i32
      %add3A_537 = arith.constant 5 : i32
      %add3A_538 = arith.addi %add3A_537, %mul3A_536 : i32
      %add3A_539 = arith.constant 0 : i32
      %add3A_540 = arith.addi %add3A_538, %add3A_539 : i32
      %dma_wait3A_541 = arith.constant 0 : i32
      %dma_wait3A_542 = tpu.memref_slice %arg8[%add3A_540, %dma_wait3A_541] : memref<200x128xi32, #tpu.memory_space<vmem>> -> memref<1x128xi32, #tpu.memory_space<vmem>>
      %dma_wait3A_543 = tpu.memref_squeeze %dma_wait3A_542 : memref<1x128xi32, #tpu.memory_space<vmem>> -> memref<128xi32, #tpu.memory_space<vmem>>
      %dma_wait3A_544 = arith.constant 0 : i32
      %dma_wait3A_545 = arith.constant 0 : i32
      %dma_wait3A_546 = tpu.memref_slice %arg5[%dma_wait3A_544, %dma_wait3A_545] : memref<100000x128xf32, #tpu.memory_space<hbm>> -> memref<100000x128xf32, #tpu.memory_space<hbm>>
      tpu.wait_indirect_dma semaphore(%arg14 : memref<!tpu.dma_semaphore, #tpu.memory_space<semaphore_mem>>) src(%dma_wait3A_546 : memref<100000x128xf32, #tpu.memory_space<hbm>>) dst(%arg9 : memref<128x128xf32, #tpu.memory_space<vmem>>)
      %mul3A_547 = arith.constant 128 : i32
      %mul3A_548 = arith.muli %add3A_540, %mul3A_547 : i32
      %add3A_549 = arith.addi %mul3A_2, %mul3A_548 : i32
      %dma_start3A_550 = arith.constant 0 : i32
      %dma_start3A_551 = tpu.memref_slice %arg7[%add3A_549, %dma_start3A_550] : memref<819200x128xf32, #tpu.memory_space<hbm>> -> memref<128x128xf32, #tpu.memory_space<hbm>>
      %dma_start3A_552 = arith.constant 0 : i32
      %dma_start3A_553 = tpu.memref_slice %arg7[%add3A_549, %dma_start3A_552] : memref<819200x128xf32, #tpu.memory_space<hbm>> -> memref<128x128xf32, #tpu.memory_space<hbm>>
      tpu.enqueue_dma source(%arg9 : memref<128x128xf32, #tpu.memory_space<vmem>>) target(%dma_start3A_553 : memref<128x128xf32, #tpu.memory_space<hbm>>) target_semaphore(%arg19 : memref<!tpu.dma_semaphore, #tpu.memory_space<semaphore_mem>>)
      %add3A_554 = arith.constant 2 : i32
      %add3A_555 = arith.addi %add3A_540, %add3A_554 : i32
      %sub3A = arith.constant 5 : i32
      %sub3A_556 = arith.subi %add3A_555, %sub3A : i32
      %mul3A_557 = arith.constant 128 : i32
      %mul3A_558 = arith.muli %sub3A_556, %mul3A_557 : i32
      %add3A_559 = arith.addi %mul3A_2, %mul3A_558 : i32
      %dma_wait3A_560 = arith.constant 0 : i32
      %dma_wait3A_561 = tpu.memref_slice %arg7[%add3A_559, %dma_wait3A_560] : memref<819200x128xf32, #tpu.memory_space<hbm>> -> memref<128x128xf32, #tpu.memory_space<hbm>>
      %dma_wait3A_562 = arith.constant 0 : i32
      %dma_wait3A_563 = tpu.memref_slice %arg7[%add3A_559, %dma_wait3A_562] : memref<819200x128xf32, #tpu.memory_space<hbm>> -> memref<128x128xf32, #tpu.memory_space<hbm>>
      tpu.wait_dma2 semaphore(%arg21 : memref<!tpu.dma_semaphore, #tpu.memory_space<semaphore_mem>>) src(%arg11 : memref<128x128xf32, #tpu.memory_space<vmem>>) dst(%dma_wait3A_563 : memref<128x128xf32, #tpu.memory_space<hbm>>)
      %add3A_564 = arith.constant 2 : i32
      %add3A_565 = arith.addi %add3A_540, %add3A_564 : i32
      %dma_start3A_566 = arith.constant 0 : i32
      %dma_start3A_567 = tpu.memref_slice %arg8[%add3A_565, %dma_start3A_566] : memref<200x128xi32, #tpu.memory_space<vmem>> -> memref<1x128xi32, #tpu.memory_space<vmem>>
      %dma_start3A_568 = tpu.memref_squeeze %dma_start3A_567 : memref<1x128xi32, #tpu.memory_space<vmem>> -> memref<128xi32, #tpu.memory_space<vmem>>
      %dma_start3A_569 = arith.constant 0 : i32
      %dma_start3A_570 = arith.constant 0 : i32
      %dma_start3A_571 = tpu.memref_slice %arg5[%dma_start3A_569, %dma_start3A_570] : memref<100000x128xf32, #tpu.memory_space<hbm>> -> memref<100000x128xf32, #tpu.memory_space<hbm>>
      tpu.enqueue_indirect_dma source(%dma_start3A_571 : memref<100000x128xf32, #tpu.memory_space<hbm>>) target(%arg11 : memref<128x128xf32, #tpu.memory_space<vmem>>) offsets(%dma_start3A_568 : memref<128xi32, #tpu.memory_space<vmem>>) semaphore(%arg16 : memref<!tpu.dma_semaphore, #tpu.memory_space<semaphore_mem>>)
      %add3A_572 = arith.constant 1 : i32
      %add3A_573 = arith.addi %add3A_538, %add3A_572 : i32
      %dma_wait3A_574 = arith.constant 0 : i32
      %dma_wait3A_575 = tpu.memref_slice %arg8[%add3A_573, %dma_wait3A_574] : memref<200x128xi32, #tpu.memory_space<vmem>> -> memref<1x128xi32, #tpu.memory_space<vmem>>
      %dma_wait3A_576 = tpu.memref_squeeze %dma_wait3A_575 : memref<1x128xi32, #tpu.memory_space<vmem>> -> memref<128xi32, #tpu.memory_space<vmem>>
      %dma_wait3A_577 = arith.constant 0 : i32
      %dma_wait3A_578 = arith.constant 0 : i32
      %dma_wait3A_579 = tpu.memref_slice %arg5[%dma_wait3A_577, %dma_wait3A_578] : memref<100000x128xf32, #tpu.memory_space<hbm>> -> memref<100000x128xf32, #tpu.memory_space<hbm>>
      tpu.wait_indirect_dma semaphore(%arg15 : memref<!tpu.dma_semaphore, #tpu.memory_space<semaphore_mem>>) src(%dma_wait3A_579 : memref<100000x128xf32, #tpu.memory_space<hbm>>) dst(%arg10 : memref<128x128xf32, #tpu.memory_space<vmem>>)
      %mul3A_580 = arith.constant 128 : i32
      %mul3A_581 = arith.muli %add3A_573, %mul3A_580 : i32
      %add3A_582 = arith.addi %mul3A_2, %mul3A_581 : i32
      %dma_start3A_583 = arith.constant 0 : i32
      %dma_start3A_584 = tpu.memref_slice %arg7[%add3A_582, %dma_start3A_583] : memref<819200x128xf32, #tpu.memory_space<hbm>> -> memref<128x128xf32, #tpu.memory_space<hbm>>
      %dma_start3A_585 = arith.constant 0 : i32
      %dma_start3A_586 = tpu.memref_slice %arg7[%add3A_582, %dma_start3A_585] : memref<819200x128xf32, #tpu.memory_space<hbm>> -> memref<128x128xf32, #tpu.memory_space<hbm>>
      tpu.enqueue_dma source(%arg10 : memref<128x128xf32, #tpu.memory_space<vmem>>) target(%dma_start3A_586 : memref<128x128xf32, #tpu.memory_space<hbm>>) target_semaphore(%arg20 : memref<!tpu.dma_semaphore, #tpu.memory_space<semaphore_mem>>)
      %add3A_587 = arith.constant 2 : i32
      %add3A_588 = arith.addi %add3A_573, %add3A_587 : i32
      %sub3A_589 = arith.constant 5 : i32
      %sub3A_590 = arith.subi %add3A_588, %sub3A_589 : i32
      %mul3A_591 = arith.constant 128 : i32
      %mul3A_592 = arith.muli %sub3A_590, %mul3A_591 : i32
      %add3A_593 = arith.addi %mul3A_2, %mul3A_592 : i32
      %dma_wait3A_594 = arith.constant 0 : i32
      %dma_wait3A_595 = tpu.memref_slice %arg7[%add3A_593, %dma_wait3A_594] : memref<819200x128xf32, #tpu.memory_space<hbm>> -> memref<128x128xf32, #tpu.memory_space<hbm>>
      %dma_wait3A_596 = arith.constant 0 : i32
      %dma_wait3A_597 = tpu.memref_slice %arg7[%add3A_593, %dma_wait3A_596] : memref<819200x128xf32, #tpu.memory_space<hbm>> -> memref<128x128xf32, #tpu.memory_space<hbm>>
      tpu.wait_dma2 semaphore(%arg22 : memref<!tpu.dma_semaphore, #tpu.memory_space<semaphore_mem>>) src(%arg12 : memref<128x128xf32, #tpu.memory_space<vmem>>) dst(%dma_wait3A_597 : memref<128x128xf32, #tpu.memory_space<hbm>>)
      %add3A_598 = arith.constant 2 : i32
      %add3A_599 = arith.addi %add3A_573, %add3A_598 : i32
      %dma_start3A_600 = arith.constant 0 : i32
      %dma_start3A_601 = tpu.memref_slice %arg8[%add3A_599, %dma_start3A_600] : memref<200x128xi32, #tpu.memory_space<vmem>> -> memref<1x128xi32, #tpu.memory_space<vmem>>
      %dma_start3A_602 = tpu.memref_squeeze %dma_start3A_601 : memref<1x128xi32, #tpu.memory_space<vmem>> -> memref<128xi32, #tpu.memory_space<vmem>>
      %dma_start3A_603 = arith.constant 0 : i32
      %dma_start3A_604 = arith.constant 0 : i32
      %dma_start3A_605 = tpu.memref_slice %arg5[%dma_start3A_603, %dma_start3A_604] : memref<100000x128xf32, #tpu.memory_space<hbm>> -> memref<100000x128xf32, #tpu.memory_space<hbm>>
      tpu.enqueue_indirect_dma source(%dma_start3A_605 : memref<100000x128xf32, #tpu.memory_space<hbm>>) target(%arg12 : memref<128x128xf32, #tpu.memory_space<vmem>>) offsets(%dma_start3A_602 : memref<128xi32, #tpu.memory_space<vmem>>) semaphore(%arg17 : memref<!tpu.dma_semaphore, #tpu.memory_space<semaphore_mem>>)
      %add3A_606 = arith.constant 2 : i32
      %add3A_607 = arith.addi %add3A_538, %add3A_606 : i32
      %dma_wait3A_608 = arith.constant 0 : i32
      %dma_wait3A_609 = tpu.memref_slice %arg8[%add3A_607, %dma_wait3A_608] : memref<200x128xi32, #tpu.memory_space<vmem>> -> memref<1x128xi32, #tpu.memory_space<vmem>>
      %dma_wait3A_610 = tpu.memref_squeeze %dma_wait3A_609 : memref<1x128xi32, #tpu.memory_space<vmem>> -> memref<128xi32, #tpu.memory_space<vmem>>
      %dma_wait3A_611 = arith.constant 0 : i32
      %dma_wait3A_612 = arith.constant 0 : i32
      %dma_wait3A_613 = tpu.memref_slice %arg5[%dma_wait3A_611, %dma_wait3A_612] : memref<100000x128xf32, #tpu.memory_space<hbm>> -> memref<100000x128xf32, #tpu.memory_space<hbm>>
      tpu.wait_indirect_dma semaphore(%arg16 : memref<!tpu.dma_semaphore, #tpu.memory_space<semaphore_mem>>) src(%dma_wait3A_613 : memref<100000x128xf32, #tpu.memory_space<hbm>>) dst(%arg11 : memref<128x128xf32, #tpu.memory_space<vmem>>)
      %mul3A_614 = arith.constant 128 : i32
      %mul3A_615 = arith.muli %add3A_607, %mul3A_614 : i32
      %add3A_616 = arith.addi %mul3A_2, %mul3A_615 : i32
      %dma_start3A_617 = arith.constant 0 : i32
      %dma_start3A_618 = tpu.memref_slice %arg7[%add3A_616, %dma_start3A_617] : memref<819200x128xf32, #tpu.memory_space<hbm>> -> memref<128x128xf32, #tpu.memory_space<hbm>>
      %dma_start3A_619 = arith.constant 0 : i32
      %dma_start3A_620 = tpu.memref_slice %arg7[%add3A_616, %dma_start3A_619] : memref<819200x128xf32, #tpu.memory_space<hbm>> -> memref<128x128xf32, #tpu.memory_space<hbm>>
      tpu.enqueue_dma source(%arg11 : memref<128x128xf32, #tpu.memory_space<vmem>>) target(%dma_start3A_620 : memref<128x128xf32, #tpu.memory_space<hbm>>) target_semaphore(%arg21 : memref<!tpu.dma_semaphore, #tpu.memory_space<semaphore_mem>>)
      %add3A_621 = arith.constant 2 : i32
      %add3A_622 = arith.addi %add3A_607, %add3A_621 : i32
      %sub3A_623 = arith.constant 5 : i32
      %sub3A_624 = arith.subi %add3A_622, %sub3A_623 : i32
      %mul3A_625 = arith.constant 128 : i32
      %mul3A_626 = arith.muli %sub3A_624, %mul3A_625 : i32
      %add3A_627 = arith.addi %mul3A_2, %mul3A_626 : i32
      %dma_wait3A_628 = arith.constant 0 : i32
      %dma_wait3A_629 = tpu.memref_slice %arg7[%add3A_627, %dma_wait3A_628] : memref<819200x128xf32, #tpu.memory_space<hbm>> -> memref<128x128xf32, #tpu.memory_space<hbm>>
      %dma_wait3A_630 = arith.constant 0 : i32
      %dma_wait3A_631 = tpu.memref_slice %arg7[%add3A_627, %dma_wait3A_630] : memref<819200x128xf32, #tpu.memory_space<hbm>> -> memref<128x128xf32, #tpu.memory_space<hbm>>
      tpu.wait_dma2 semaphore(%arg23 : memref<!tpu.dma_semaphore, #tpu.memory_space<semaphore_mem>>) src(%arg13 : memref<128x128xf32, #tpu.memory_space<vmem>>) dst(%dma_wait3A_631 : memref<128x128xf32, #tpu.memory_space<hbm>>)
      %add3A_632 = arith.constant 2 : i32
      %add3A_633 = arith.addi %add3A_607, %add3A_632 : i32
      %dma_start3A_634 = arith.constant 0 : i32
      %dma_start3A_635 = tpu.memref_slice %arg8[%add3A_633, %dma_start3A_634] : memref<200x128xi32, #tpu.memory_space<vmem>> -> memref<1x128xi32, #tpu.memory_space<vmem>>
      %dma_start3A_636 = tpu.memref_squeeze %dma_start3A_635 : memref<1x128xi32, #tpu.memory_space<vmem>> -> memref<128xi32, #tpu.memory_space<vmem>>
      %dma_start3A_637 = arith.constant 0 : i32
      %dma_start3A_638 = arith.constant 0 : i32
      %dma_start3A_639 = tpu.memref_slice %arg5[%dma_start3A_637, %dma_start3A_638] : memref<100000x128xf32, #tpu.memory_space<hbm>> -> memref<100000x128xf32, #tpu.memory_space<hbm>>
      tpu.enqueue_indirect_dma source(%dma_start3A_639 : memref<100000x128xf32, #tpu.memory_space<hbm>>) target(%arg13 : memref<128x128xf32, #tpu.memory_space<vmem>>) offsets(%dma_start3A_636 : memref<128xi32, #tpu.memory_space<vmem>>) semaphore(%arg18 : memref<!tpu.dma_semaphore, #tpu.memory_space<semaphore_mem>>)
      %add3A_640 = arith.constant 3 : i32
      %add3A_641 = arith.addi %add3A_538, %add3A_640 : i32
      %dma_wait3A_642 = arith.constant 0 : i32
      %dma_wait3A_643 = tpu.memref_slice %arg8[%add3A_641, %dma_wait3A_642] : memref<200x128xi32, #tpu.memory_space<vmem>> -> memref<1x128xi32, #tpu.memory_space<vmem>>
      %dma_wait3A_644 = tpu.memref_squeeze %dma_wait3A_643 : memref<1x128xi32, #tpu.memory_space<vmem>> -> memref<128xi32, #tpu.memory_space<vmem>>
      %dma_wait3A_645 = arith.constant 0 : i32
      %dma_wait3A_646 = arith.constant 0 : i32
      %dma_wait3A_647 = tpu.memref_slice %arg5[%dma_wait3A_645, %dma_wait3A_646] : memref<100000x128xf32, #tpu.memory_space<hbm>> -> memref<100000x128xf32, #tpu.memory_space<hbm>>
      tpu.wait_indirect_dma semaphore(%arg17 : memref<!tpu.dma_semaphore, #tpu.memory_space<semaphore_mem>>) src(%dma_wait3A_647 : memref<100000x128xf32, #tpu.memory_space<hbm>>) dst(%arg12 : memref<128x128xf32, #tpu.memory_space<vmem>>)
      %mul3A_648 = arith.constant 128 : i32
      %mul3A_649 = arith.muli %add3A_641, %mul3A_648 : i32
      %add3A_650 = arith.addi %mul3A_2, %mul3A_649 : i32
      %dma_start3A_651 = arith.constant 0 : i32
      %dma_start3A_652 = tpu.memref_slice %arg7[%add3A_650, %dma_start3A_651] : memref<819200x128xf32, #tpu.memory_space<hbm>> -> memref<128x128xf32, #tpu.memory_space<hbm>>
      %dma_start3A_653 = arith.constant 0 : i32
      %dma_start3A_654 = tpu.memref_slice %arg7[%add3A_650, %dma_start3A_653] : memref<819200x128xf32, #tpu.memory_space<hbm>> -> memref<128x128xf32, #tpu.memory_space<hbm>>
      tpu.enqueue_dma source(%arg12 : memref<128x128xf32, #tpu.memory_space<vmem>>) target(%dma_start3A_654 : memref<128x128xf32, #tpu.memory_space<hbm>>) target_semaphore(%arg22 : memref<!tpu.dma_semaphore, #tpu.memory_space<semaphore_mem>>)
      %add3A_655 = arith.constant 2 : i32
      %add3A_656 = arith.addi %add3A_641, %add3A_655 : i32
      %sub3A_657 = arith.constant 5 : i32
      %sub3A_658 = arith.subi %add3A_656, %sub3A_657 : i32
      %mul3A_659 = arith.constant 128 : i32
      %mul3A_660 = arith.muli %sub3A_658, %mul3A_659 : i32
      %add3A_661 = arith.addi %mul3A_2, %mul3A_660 : i32
      %dma_wait3A_662 = arith.constant 0 : i32
      %dma_wait3A_663 = tpu.memref_slice %arg7[%add3A_661, %dma_wait3A_662] : memref<819200x128xf32, #tpu.memory_space<hbm>> -> memref<128x128xf32, #tpu.memory_space<hbm>>
      %dma_wait3A_664 = arith.constant 0 : i32
      %dma_wait3A_665 = tpu.memref_slice %arg7[%add3A_661, %dma_wait3A_664] : memref<819200x128xf32, #tpu.memory_space<hbm>> -> memref<128x128xf32, #tpu.memory_space<hbm>>
      tpu.wait_dma2 semaphore(%arg19 : memref<!tpu.dma_semaphore, #tpu.memory_space<semaphore_mem>>) src(%arg9 : memref<128x128xf32, #tpu.memory_space<vmem>>) dst(%dma_wait3A_665 : memref<128x128xf32, #tpu.memory_space<hbm>>)
      %add3A_666 = arith.constant 2 : i32
      %add3A_667 = arith.addi %add3A_641, %add3A_666 : i32
      %dma_start3A_668 = arith.constant 0 : i32
      %dma_start3A_669 = tpu.memref_slice %arg8[%add3A_667, %dma_start3A_668] : memref<200x128xi32, #tpu.memory_space<vmem>> -> memref<1x128xi32, #tpu.memory_space<vmem>>
      %dma_start3A_670 = tpu.memref_squeeze %dma_start3A_669 : memref<1x128xi32, #tpu.memory_space<vmem>> -> memref<128xi32, #tpu.memory_space<vmem>>
      %dma_start3A_671 = arith.constant 0 : i32
      %dma_start3A_672 = arith.constant 0 : i32
      %dma_start3A_673 = tpu.memref_slice %arg5[%dma_start3A_671, %dma_start3A_672] : memref<100000x128xf32, #tpu.memory_space<hbm>> -> memref<100000x128xf32, #tpu.memory_space<hbm>>
      tpu.enqueue_indirect_dma source(%dma_start3A_673 : memref<100000x128xf32, #tpu.memory_space<hbm>>) target(%arg9 : memref<128x128xf32, #tpu.memory_space<vmem>>) offsets(%dma_start3A_670 : memref<128xi32, #tpu.memory_space<vmem>>) semaphore(%arg14 : memref<!tpu.dma_semaphore, #tpu.memory_space<semaphore_mem>>)
      %add3A_674 = arith.constant 4 : i32
      %add3A_675 = arith.addi %add3A_538, %add3A_674 : i32
      %dma_wait3A_676 = arith.constant 0 : i32
      %dma_wait3A_677 = tpu.memref_slice %arg8[%add3A_675, %dma_wait3A_676] : memref<200x128xi32, #tpu.memory_space<vmem>> -> memref<1x128xi32, #tpu.memory_space<vmem>>
      %dma_wait3A_678 = tpu.memref_squeeze %dma_wait3A_677 : memref<1x128xi32, #tpu.memory_space<vmem>> -> memref<128xi32, #tpu.memory_space<vmem>>
      %dma_wait3A_679 = arith.constant 0 : i32
      %dma_wait3A_680 = arith.constant 0 : i32
      %dma_wait3A_681 = tpu.memref_slice %arg5[%dma_wait3A_679, %dma_wait3A_680] : memref<100000x128xf32, #tpu.memory_space<hbm>> -> memref<100000x128xf32, #tpu.memory_space<hbm>>
      tpu.wait_indirect_dma semaphore(%arg18 : memref<!tpu.dma_semaphore, #tpu.memory_space<semaphore_mem>>) src(%dma_wait3A_681 : memref<100000x128xf32, #tpu.memory_space<hbm>>) dst(%arg13 : memref<128x128xf32, #tpu.memory_space<vmem>>)
      %mul3A_682 = arith.constant 128 : i32
      %mul3A_683 = arith.muli %add3A_675, %mul3A_682 : i32
      %add3A_684 = arith.addi %mul3A_2, %mul3A_683 : i32
      %dma_start3A_685 = arith.constant 0 : i32
      %dma_start3A_686 = tpu.memref_slice %arg7[%add3A_684, %dma_start3A_685] : memref<819200x128xf32, #tpu.memory_space<hbm>> -> memref<128x128xf32, #tpu.memory_space<hbm>>
      %dma_start3A_687 = arith.constant 0 : i32
      %dma_start3A_688 = tpu.memref_slice %arg7[%add3A_684, %dma_start3A_687] : memref<819200x128xf32, #tpu.memory_space<hbm>> -> memref<128x128xf32, #tpu.memory_space<hbm>>
      tpu.enqueue_dma source(%arg13 : memref<128x128xf32, #tpu.memory_space<vmem>>) target(%dma_start3A_688 : memref<128x128xf32, #tpu.memory_space<hbm>>) target_semaphore(%arg23 : memref<!tpu.dma_semaphore, #tpu.memory_space<semaphore_mem>>)
      %add3A_689 = arith.constant 2 : i32
      %add3A_690 = arith.addi %add3A_675, %add3A_689 : i32
      %sub3A_691 = arith.constant 5 : i32
      %sub3A_692 = arith.subi %add3A_690, %sub3A_691 : i32
      %mul3A_693 = arith.constant 128 : i32
      %mul3A_694 = arith.muli %sub3A_692, %mul3A_693 : i32
      %add3A_695 = arith.addi %mul3A_2, %mul3A_694 : i32
      %dma_wait3A_696 = arith.constant 0 : i32
      %dma_wait3A_697 = tpu.memref_slice %arg7[%add3A_695, %dma_wait3A_696] : memref<819200x128xf32, #tpu.memory_space<hbm>> -> memref<128x128xf32, #tpu.memory_space<hbm>>
      %dma_wait3A_698 = arith.constant 0 : i32
      %dma_wait3A_699 = tpu.memref_slice %arg7[%add3A_695, %dma_wait3A_698] : memref<819200x128xf32, #tpu.memory_space<hbm>> -> memref<128x128xf32, #tpu.memory_space<hbm>>
      tpu.wait_dma2 semaphore(%arg20 : memref<!tpu.dma_semaphore, #tpu.memory_space<semaphore_mem>>) src(%arg10 : memref<128x128xf32, #tpu.memory_space<vmem>>) dst(%dma_wait3A_699 : memref<128x128xf32, #tpu.memory_space<hbm>>)
      %add3A_700 = arith.constant 2 : i32
      %add3A_701 = arith.addi %add3A_675, %add3A_700 : i32
      %dma_start3A_702 = arith.constant 0 : i32
      %dma_start3A_703 = tpu.memref_slice %arg8[%add3A_701, %dma_start3A_702] : memref<200x128xi32, #tpu.memory_space<vmem>> -> memref<1x128xi32, #tpu.memory_space<vmem>>
      %dma_start3A_704 = tpu.memref_squeeze %dma_start3A_703 : memref<1x128xi32, #tpu.memory_space<vmem>> -> memref<128xi32, #tpu.memory_space<vmem>>
      %dma_start3A_705 = arith.constant 0 : i32
      %dma_start3A_706 = arith.constant 0 : i32
      %dma_start3A_707 = tpu.memref_slice %arg5[%dma_start3A_705, %dma_start3A_706] : memref<100000x128xf32, #tpu.memory_space<hbm>> -> memref<100000x128xf32, #tpu.memory_space<hbm>>
      tpu.enqueue_indirect_dma source(%dma_start3A_707 : memref<100000x128xf32, #tpu.memory_space<hbm>>) target(%arg10 : memref<128x128xf32, #tpu.memory_space<vmem>>) offsets(%dma_start3A_704 : memref<128xi32, #tpu.memory_space<vmem>>) semaphore(%arg15 : memref<!tpu.dma_semaphore, #tpu.memory_space<semaphore_mem>>)
    }
    %scan3A_399 = arith.constant 38 : i32
    %dma_wait3A_400 = arith.constant 195 : i32
    %dma_wait3A_401 = arith.constant 0 : i32
    %dma_wait3A_402 = tpu.memref_slice %arg8[%dma_wait3A_400, %dma_wait3A_401] : memref<200x128xi32, #tpu.memory_space<vmem>> -> memref<1x128xi32, #tpu.memory_space<vmem>>
    %dma_wait3A_403 = tpu.memref_squeeze %dma_wait3A_402 : memref<1x128xi32, #tpu.memory_space<vmem>> -> memref<128xi32, #tpu.memory_space<vmem>>
    %dma_wait3A_404 = arith.constant 0 : i32
    %dma_wait3A_405 = arith.constant 0 : i32
    %dma_wait3A_406 = tpu.memref_slice %arg5[%dma_wait3A_404, %dma_wait3A_405] : memref<100000x128xf32, #tpu.memory_space<hbm>> -> memref<100000x128xf32, #tpu.memory_space<hbm>>
    tpu.wait_indirect_dma semaphore(%arg14 : memref<!tpu.dma_semaphore, #tpu.memory_space<semaphore_mem>>) src(%dma_wait3A_406 : memref<100000x128xf32, #tpu.memory_space<hbm>>) dst(%arg9 : memref<128x128xf32, #tpu.memory_space<vmem>>)
    %add3A_407 = arith.constant 24960 : i32
    %add3A_408 = arith.addi %mul3A_2, %add3A_407 : i32
    %dma_start3A_409 = arith.constant 0 : i32
    %dma_start3A_410 = tpu.memref_slice %arg7[%add3A_408, %dma_start3A_409] : memref<819200x128xf32, #tpu.memory_space<hbm>> -> memref<128x128xf32, #tpu.memory_space<hbm>>
    %dma_start3A_411 = arith.constant 0 : i32
    %dma_start3A_412 = tpu.memref_slice %arg7[%add3A_408, %dma_start3A_411] : memref<819200x128xf32, #tpu.memory_space<hbm>> -> memref<128x128xf32, #tpu.memory_space<hbm>>
    tpu.enqueue_dma source(%arg9 : memref<128x128xf32, #tpu.memory_space<vmem>>) target(%dma_start3A_412 : memref<128x128xf32, #tpu.memory_space<hbm>>) target_semaphore(%arg19 : memref<!tpu.dma_semaphore, #tpu.memory_space<semaphore_mem>>)
    %add3A_413 = arith.constant 24576 : i32
    %add3A_414 = arith.addi %mul3A_2, %add3A_413 : i32
    %dma_wait3A_415 = arith.constant 0 : i32
    %dma_wait3A_416 = tpu.memref_slice %arg7[%add3A_414, %dma_wait3A_415] : memref<819200x128xf32, #tpu.memory_space<hbm>> -> memref<128x128xf32, #tpu.memory_space<hbm>>
    %dma_wait3A_417 = arith.constant 0 : i32
    %dma_wait3A_418 = tpu.memref_slice %arg7[%add3A_414, %dma_wait3A_417] : memref<819200x128xf32, #tpu.memory_space<hbm>> -> memref<128x128xf32, #tpu.memory_space<hbm>>
    tpu.wait_dma2 semaphore(%arg21 : memref<!tpu.dma_semaphore, #tpu.memory_space<semaphore_mem>>) src(%arg11 : memref<128x128xf32, #tpu.memory_space<vmem>>) dst(%dma_wait3A_418 : memref<128x128xf32, #tpu.memory_space<hbm>>)
    %dma_start3A_419 = arith.constant 197 : i32
    %dma_start3A_420 = arith.constant 0 : i32
    %dma_start3A_421 = tpu.memref_slice %arg8[%dma_start3A_419, %dma_start3A_420] : memref<200x128xi32, #tpu.memory_space<vmem>> -> memref<1x128xi32, #tpu.memory_space<vmem>>
    %dma_start3A_422 = tpu.memref_squeeze %dma_start3A_421 : memref<1x128xi32, #tpu.memory_space<vmem>> -> memref<128xi32, #tpu.memory_space<vmem>>
    %dma_start3A_423 = arith.constant 0 : i32
    %dma_start3A_424 = arith.constant 0 : i32
    %dma_start3A_425 = tpu.memref_slice %arg5[%dma_start3A_423, %dma_start3A_424] : memref<100000x128xf32, #tpu.memory_space<hbm>> -> memref<100000x128xf32, #tpu.memory_space<hbm>>
    tpu.enqueue_indirect_dma source(%dma_start3A_425 : memref<100000x128xf32, #tpu.memory_space<hbm>>) target(%arg11 : memref<128x128xf32, #tpu.memory_space<vmem>>) offsets(%dma_start3A_422 : memref<128xi32, #tpu.memory_space<vmem>>) semaphore(%arg16 : memref<!tpu.dma_semaphore, #tpu.memory_space<semaphore_mem>>)
    %dma_wait3A_426 = arith.constant 196 : i32
    %dma_wait3A_427 = arith.constant 0 : i32
    %dma_wait3A_428 = tpu.memref_slice %arg8[%dma_wait3A_426, %dma_wait3A_427] : memref<200x128xi32, #tpu.memory_space<vmem>> -> memref<1x128xi32, #tpu.memory_space<vmem>>
    %dma_wait3A_429 = tpu.memref_squeeze %dma_wait3A_428 : memref<1x128xi32, #tpu.memory_space<vmem>> -> memref<128xi32, #tpu.memory_space<vmem>>
    %dma_wait3A_430 = arith.constant 0 : i32
    %dma_wait3A_431 = arith.constant 0 : i32
    %dma_wait3A_432 = tpu.memref_slice %arg5[%dma_wait3A_430, %dma_wait3A_431] : memref<100000x128xf32, #tpu.memory_space<hbm>> -> memref<100000x128xf32, #tpu.memory_space<hbm>>
    tpu.wait_indirect_dma semaphore(%arg15 : memref<!tpu.dma_semaphore, #tpu.memory_space<semaphore_mem>>) src(%dma_wait3A_432 : memref<100000x128xf32, #tpu.memory_space<hbm>>) dst(%arg10 : memref<128x128xf32, #tpu.memory_space<vmem>>)
    %add3A_433 = arith.constant 25088 : i32
    %add3A_434 = arith.addi %mul3A_2, %add3A_433 : i32
    %dma_start3A_435 = arith.constant 0 : i32
    %dma_start3A_436 = tpu.memref_slice %arg7[%add3A_434, %dma_start3A_435] : memref<819200x128xf32, #tpu.memory_space<hbm>> -> memref<128x128xf32, #tpu.memory_space<hbm>>
    %dma_start3A_437 = arith.constant 0 : i32
    %dma_start3A_438 = tpu.memref_slice %arg7[%add3A_434, %dma_start3A_437] : memref<819200x128xf32, #tpu.memory_space<hbm>> -> memref<128x128xf32, #tpu.memory_space<hbm>>
    tpu.enqueue_dma source(%arg10 : memref<128x128xf32, #tpu.memory_space<vmem>>) target(%dma_start3A_438 : memref<128x128xf32, #tpu.memory_space<hbm>>) target_semaphore(%arg20 : memref<!tpu.dma_semaphore, #tpu.memory_space<semaphore_mem>>)
    %add3A_439 = arith.constant 24704 : i32
    %add3A_440 = arith.addi %mul3A_2, %add3A_439 : i32
    %dma_wait3A_441 = arith.constant 0 : i32
    %dma_wait3A_442 = tpu.memref_slice %arg7[%add3A_440, %dma_wait3A_441] : memref<819200x128xf32, #tpu.memory_space<hbm>> -> memref<128x128xf32, #tpu.memory_space<hbm>>
    %dma_wait3A_443 = arith.constant 0 : i32
    %dma_wait3A_444 = tpu.memref_slice %arg7[%add3A_440, %dma_wait3A_443] : memref<819200x128xf32, #tpu.memory_space<hbm>> -> memref<128x128xf32, #tpu.memory_space<hbm>>
    tpu.wait_dma2 semaphore(%arg22 : memref<!tpu.dma_semaphore, #tpu.memory_space<semaphore_mem>>) src(%arg12 : memref<128x128xf32, #tpu.memory_space<vmem>>) dst(%dma_wait3A_444 : memref<128x128xf32, #tpu.memory_space<hbm>>)
    %dma_start3A_445 = arith.constant 198 : i32
    %dma_start3A_446 = arith.constant 0 : i32
    %dma_start3A_447 = tpu.memref_slice %arg8[%dma_start3A_445, %dma_start3A_446] : memref<200x128xi32, #tpu.memory_space<vmem>> -> memref<1x128xi32, #tpu.memory_space<vmem>>
    %dma_start3A_448 = tpu.memref_squeeze %dma_start3A_447 : memref<1x128xi32, #tpu.memory_space<vmem>> -> memref<128xi32, #tpu.memory_space<vmem>>
    %dma_start3A_449 = arith.constant 0 : i32
    %dma_start3A_450 = arith.constant 0 : i32
    %dma_start3A_451 = tpu.memref_slice %arg5[%dma_start3A_449, %dma_start3A_450] : memref<100000x128xf32, #tpu.memory_space<hbm>> -> memref<100000x128xf32, #tpu.memory_space<hbm>>
    tpu.enqueue_indirect_dma source(%dma_start3A_451 : memref<100000x128xf32, #tpu.memory_space<hbm>>) target(%arg12 : memref<128x128xf32, #tpu.memory_space<vmem>>) offsets(%dma_start3A_448 : memref<128xi32, #tpu.memory_space<vmem>>) semaphore(%arg17 : memref<!tpu.dma_semaphore, #tpu.memory_space<semaphore_mem>>)
    %dma_wait3A_452 = arith.constant 197 : i32
    %dma_wait3A_453 = arith.constant 0 : i32
    %dma_wait3A_454 = tpu.memref_slice %arg8[%dma_wait3A_452, %dma_wait3A_453] : memref<200x128xi32, #tpu.memory_space<vmem>> -> memref<1x128xi32, #tpu.memory_space<vmem>>
    %dma_wait3A_455 = tpu.memref_squeeze %dma_wait3A_454 : memref<1x128xi32, #tpu.memory_space<vmem>> -> memref<128xi32, #tpu.memory_space<vmem>>
    %dma_wait3A_456 = arith.constant 0 : i32
    %dma_wait3A_457 = arith.constant 0 : i32
    %dma_wait3A_458 = tpu.memref_slice %arg5[%dma_wait3A_456, %dma_wait3A_457] : memref<100000x128xf32, #tpu.memory_space<hbm>> -> memref<100000x128xf32, #tpu.memory_space<hbm>>
    tpu.wait_indirect_dma semaphore(%arg16 : memref<!tpu.dma_semaphore, #tpu.memory_space<semaphore_mem>>) src(%dma_wait3A_458 : memref<100000x128xf32, #tpu.memory_space<hbm>>) dst(%arg11 : memref<128x128xf32, #tpu.memory_space<vmem>>)
    %add3A_459 = arith.constant 25216 : i32
    %add3A_460 = arith.addi %mul3A_2, %add3A_459 : i32
    %dma_start3A_461 = arith.constant 0 : i32
    %dma_start3A_462 = tpu.memref_slice %arg7[%add3A_460, %dma_start3A_461] : memref<819200x128xf32, #tpu.memory_space<hbm>> -> memref<128x128xf32, #tpu.memory_space<hbm>>
    %dma_start3A_463 = arith.constant 0 : i32
    %dma_start3A_464 = tpu.memref_slice %arg7[%add3A_460, %dma_start3A_463] : memref<819200x128xf32, #tpu.memory_space<hbm>> -> memref<128x128xf32, #tpu.memory_space<hbm>>
    tpu.enqueue_dma source(%arg11 : memref<128x128xf32, #tpu.memory_space<vmem>>) target(%dma_start3A_464 : memref<128x128xf32, #tpu.memory_space<hbm>>) target_semaphore(%arg21 : memref<!tpu.dma_semaphore, #tpu.memory_space<semaphore_mem>>)
    %add3A_465 = arith.constant 24832 : i32
    %add3A_466 = arith.addi %mul3A_2, %add3A_465 : i32
    %dma_wait3A_467 = arith.constant 0 : i32
    %dma_wait3A_468 = tpu.memref_slice %arg7[%add3A_466, %dma_wait3A_467] : memref<819200x128xf32, #tpu.memory_space<hbm>> -> memref<128x128xf32, #tpu.memory_space<hbm>>
    %dma_wait3A_469 = arith.constant 0 : i32
    %dma_wait3A_470 = tpu.memref_slice %arg7[%add3A_466, %dma_wait3A_469] : memref<819200x128xf32, #tpu.memory_space<hbm>> -> memref<128x128xf32, #tpu.memory_space<hbm>>
    tpu.wait_dma2 semaphore(%arg23 : memref<!tpu.dma_semaphore, #tpu.memory_space<semaphore_mem>>) src(%arg13 : memref<128x128xf32, #tpu.memory_space<vmem>>) dst(%dma_wait3A_470 : memref<128x128xf32, #tpu.memory_space<hbm>>)
    %dma_start3A_471 = arith.constant 199 : i32
    %dma_start3A_472 = arith.constant 0 : i32
    %dma_start3A_473 = tpu.memref_slice %arg8[%dma_start3A_471, %dma_start3A_472] : memref<200x128xi32, #tpu.memory_space<vmem>> -> memref<1x128xi32, #tpu.memory_space<vmem>>
    %dma_start3A_474 = tpu.memref_squeeze %dma_start3A_473 : memref<1x128xi32, #tpu.memory_space<vmem>> -> memref<128xi32, #tpu.memory_space<vmem>>
    %dma_start3A_475 = arith.constant 0 : i32
    %dma_start3A_476 = arith.constant 0 : i32
    %dma_start3A_477 = tpu.memref_slice %arg5[%dma_start3A_475, %dma_start3A_476] : memref<100000x128xf32, #tpu.memory_space<hbm>> -> memref<100000x128xf32, #tpu.memory_space<hbm>>
    tpu.enqueue_indirect_dma source(%dma_start3A_477 : memref<100000x128xf32, #tpu.memory_space<hbm>>) target(%arg13 : memref<128x128xf32, #tpu.memory_space<vmem>>) offsets(%dma_start3A_474 : memref<128xi32, #tpu.memory_space<vmem>>) semaphore(%arg18 : memref<!tpu.dma_semaphore, #tpu.memory_space<semaphore_mem>>)
    %dma_wait3A_478 = arith.constant 198 : i32
    %dma_wait3A_479 = arith.constant 0 : i32
    %dma_wait3A_480 = tpu.memref_slice %arg8[%dma_wait3A_478, %dma_wait3A_479] : memref<200x128xi32, #tpu.memory_space<vmem>> -> memref<1x128xi32, #tpu.memory_space<vmem>>
    %dma_wait3A_481 = tpu.memref_squeeze %dma_wait3A_480 : memref<1x128xi32, #tpu.memory_space<vmem>> -> memref<128xi32, #tpu.memory_space<vmem>>
    %dma_wait3A_482 = arith.constant 0 : i32
    %dma_wait3A_483 = arith.constant 0 : i32
    %dma_wait3A_484 = tpu.memref_slice %arg5[%dma_wait3A_482, %dma_wait3A_483] : memref<100000x128xf32, #tpu.memory_space<hbm>> -> memref<100000x128xf32, #tpu.memory_space<hbm>>
    tpu.wait_indirect_dma semaphore(%arg17 : memref<!tpu.dma_semaphore, #tpu.memory_space<semaphore_mem>>) src(%dma_wait3A_484 : memref<100000x128xf32, #tpu.memory_space<hbm>>) dst(%arg12 : memref<128x128xf32, #tpu.memory_space<vmem>>)
    %add3A_485 = arith.constant 25344 : i32
    %add3A_486 = arith.addi %mul3A_2, %add3A_485 : i32
    %dma_start3A_487 = arith.constant 0 : i32
    %dma_start3A_488 = tpu.memref_slice %arg7[%add3A_486, %dma_start3A_487] : memref<819200x128xf32, #tpu.memory_space<hbm>> -> memref<128x128xf32, #tpu.memory_space<hbm>>
    %dma_start3A_489 = arith.constant 0 : i32
    %dma_start3A_490 = tpu.memref_slice %arg7[%add3A_486, %dma_start3A_489] : memref<819200x128xf32, #tpu.memory_space<hbm>> -> memref<128x128xf32, #tpu.memory_space<hbm>>
    tpu.enqueue_dma source(%arg12 : memref<128x128xf32, #tpu.memory_space<vmem>>) target(%dma_start3A_490 : memref<128x128xf32, #tpu.memory_space<hbm>>) target_semaphore(%arg22 : memref<!tpu.dma_semaphore, #tpu.memory_space<semaphore_mem>>)
    %add3A_491 = arith.constant 24960 : i32
    %add3A_492 = arith.addi %mul3A_2, %add3A_491 : i32
    %dma_wait3A_493 = arith.constant 0 : i32
    %dma_wait3A_494 = tpu.memref_slice %arg7[%add3A_492, %dma_wait3A_493] : memref<819200x128xf32, #tpu.memory_space<hbm>> -> memref<128x128xf32, #tpu.memory_space<hbm>>
    %dma_wait3A_495 = arith.constant 0 : i32
    %dma_wait3A_496 = tpu.memref_slice %arg7[%add3A_492, %dma_wait3A_495] : memref<819200x128xf32, #tpu.memory_space<hbm>> -> memref<128x128xf32, #tpu.memory_space<hbm>>
    tpu.wait_dma2 semaphore(%arg19 : memref<!tpu.dma_semaphore, #tpu.memory_space<semaphore_mem>>) src(%arg9 : memref<128x128xf32, #tpu.memory_space<vmem>>) dst(%dma_wait3A_496 : memref<128x128xf32, #tpu.memory_space<hbm>>)
    %dma_wait3A_497 = arith.constant 199 : i32
    %dma_wait3A_498 = arith.constant 0 : i32
    %dma_wait3A_499 = tpu.memref_slice %arg8[%dma_wait3A_497, %dma_wait3A_498] : memref<200x128xi32, #tpu.memory_space<vmem>> -> memref<1x128xi32, #tpu.memory_space<vmem>>
    %dma_wait3A_500 = tpu.memref_squeeze %dma_wait3A_499 : memref<1x128xi32, #tpu.memory_space<vmem>> -> memref<128xi32, #tpu.memory_space<vmem>>
    %dma_wait3A_501 = arith.constant 0 : i32
    %dma_wait3A_502 = arith.constant 0 : i32
    %dma_wait3A_503 = tpu.memref_slice %arg5[%dma_wait3A_501, %dma_wait3A_502] : memref<100000x128xf32, #tpu.memory_space<hbm>> -> memref<100000x128xf32, #tpu.memory_space<hbm>>
    tpu.wait_indirect_dma semaphore(%arg18 : memref<!tpu.dma_semaphore, #tpu.memory_space<semaphore_mem>>) src(%dma_wait3A_503 : memref<100000x128xf32, #tpu.memory_space<hbm>>) dst(%arg13 : memref<128x128xf32, #tpu.memory_space<vmem>>)
    %add3A_504 = arith.constant 25472 : i32
    %add3A_505 = arith.addi %mul3A_2, %add3A_504 : i32
    %dma_start3A_506 = arith.constant 0 : i32
    %dma_start3A_507 = tpu.memref_slice %arg7[%add3A_505, %dma_start3A_506] : memref<819200x128xf32, #tpu.memory_space<hbm>> -> memref<128x128xf32, #tpu.memory_space<hbm>>
    %dma_start3A_508 = arith.constant 0 : i32
    %dma_start3A_509 = tpu.memref_slice %arg7[%add3A_505, %dma_start3A_508] : memref<819200x128xf32, #tpu.memory_space<hbm>> -> memref<128x128xf32, #tpu.memory_space<hbm>>
    tpu.enqueue_dma source(%arg13 : memref<128x128xf32, #tpu.memory_space<vmem>>) target(%dma_start3A_509 : memref<128x128xf32, #tpu.memory_space<hbm>>) target_semaphore(%arg23 : memref<!tpu.dma_semaphore, #tpu.memory_space<semaphore_mem>>)
    %add3A_510 = arith.constant 25088 : i32
    %add3A_511 = arith.addi %mul3A_2, %add3A_510 : i32
    %dma_wait3A_512 = arith.constant 0 : i32
    %dma_wait3A_513 = tpu.memref_slice %arg7[%add3A_511, %dma_wait3A_512] : memref<819200x128xf32, #tpu.memory_space<hbm>> -> memref<128x128xf32, #tpu.memory_space<hbm>>
    %dma_wait3A_514 = arith.constant 0 : i32
    %dma_wait3A_515 = tpu.memref_slice %arg7[%add3A_511, %dma_wait3A_514] : memref<819200x128xf32, #tpu.memory_space<hbm>> -> memref<128x128xf32, #tpu.memory_space<hbm>>
    tpu.wait_dma2 semaphore(%arg20 : memref<!tpu.dma_semaphore, #tpu.memory_space<semaphore_mem>>) src(%arg10 : memref<128x128xf32, #tpu.memory_space<vmem>>) dst(%dma_wait3A_515 : memref<128x128xf32, #tpu.memory_space<hbm>>)
    %add3A_516 = arith.constant 25216 : i32
    %add3A_517 = arith.addi %mul3A_2, %add3A_516 : i32
    %dma_wait3A_518 = arith.constant 0 : i32
    %dma_wait3A_519 = tpu.memref_slice %arg7[%add3A_517, %dma_wait3A_518] : memref<819200x128xf32, #tpu.memory_space<hbm>> -> memref<128x128xf32, #tpu.memory_space<hbm>>
    %dma_wait3A_520 = arith.constant 0 : i32
    %dma_wait3A_521 = tpu.memref_slice %arg7[%add3A_517, %dma_wait3A_520] : memref<819200x128xf32, #tpu.memory_space<hbm>> -> memref<128x128xf32, #tpu.memory_space<hbm>>
    tpu.wait_dma2 semaphore(%arg21 : memref<!tpu.dma_semaphore, #tpu.memory_space<semaphore_mem>>) src(%arg11 : memref<128x128xf32, #tpu.memory_space<vmem>>) dst(%dma_wait3A_521 : memref<128x128xf32, #tpu.memory_space<hbm>>)
    %add3A_522 = arith.constant 25344 : i32
    %add3A_523 = arith.addi %mul3A_2, %add3A_522 : i32
    %dma_wait3A_524 = arith.constant 0 : i32
    %dma_wait3A_525 = tpu.memref_slice %arg7[%add3A_523, %dma_wait3A_524] : memref<819200x128xf32, #tpu.memory_space<hbm>> -> memref<128x128xf32, #tpu.memory_space<hbm>>
    %dma_wait3A_526 = arith.constant 0 : i32
    %dma_wait3A_527 = tpu.memref_slice %arg7[%add3A_523, %dma_wait3A_526] : memref<819200x128xf32, #tpu.memory_space<hbm>> -> memref<128x128xf32, #tpu.memory_space<hbm>>
    tpu.wait_dma2 semaphore(%arg22 : memref<!tpu.dma_semaphore, #tpu.memory_space<semaphore_mem>>) src(%arg12 : memref<128x128xf32, #tpu.memory_space<vmem>>) dst(%dma_wait3A_527 : memref<128x128xf32, #tpu.memory_space<hbm>>)
    %add3A_528 = arith.constant 25472 : i32
    %add3A_529 = arith.addi %mul3A_2, %add3A_528 : i32
    %dma_wait3A_530 = arith.constant 0 : i32
    %dma_wait3A_531 = tpu.memref_slice %arg7[%add3A_529, %dma_wait3A_530] : memref<819200x128xf32, #tpu.memory_space<hbm>> -> memref<128x128xf32, #tpu.memory_space<hbm>>
    %dma_wait3A_532 = arith.constant 0 : i32
    %dma_wait3A_533 = tpu.memref_slice %arg7[%add3A_529, %dma_wait3A_532] : memref<819200x128xf32, #tpu.memory_space<hbm>> -> memref<128x128xf32, #tpu.memory_space<hbm>>
    tpu.wait_dma2 semaphore(%arg23 : memref<!tpu.dma_semaphore, #tpu.memory_space<semaphore_mem>>) src(%arg13 : memref<128x128xf32, #tpu.memory_space<vmem>>) dst(%dma_wait3A_533 : memref<128x128xf32, #tpu.memory_space<hbm>>)
    return
  }
}

</mosaic_0001>

<sc_bundles>
// kernel: kernel.3.cloned.1.call-start
scs
__scs_entry_jumppad:
0x0: {  	(pc) =	sbr.rel $0x88, $3  }
0x1: {  	(tag) =	ssettag $0x0;
	lr =	simm.s32 $0x1  }
0x2: {  	[smem:$0x3F9D] =	sst lr;
	_ =	strace $0xD0000000  }
0x3: {  	_ = 	snop  }
0x4: {  	_ = 	snop  }
0x5: {  	_ = 	snop  }
0x6: {  	_ = 	snop  }
0x7: {  	_ = 	snop  }
__scs_overlays_trampoline_lowered:
0x8: {  	[smem:$0x3FAC] =	sst s0  }
0x9: {  	[smem:$0x3FAD] =	sst s1  }
0xa: {  	[smem:$0x3FAE] =	sst s2  }
0xb: {  	[smem:$0x3FAF] =	sst s3  }
0xc: {  	[smem:$0x3FB0] =	sst s4  }
0xd: {  	[smem:$0x3FB1] =	sst s5  }
0xe: {  	[smem:$0x3FB2] =	sst s6  }
0xf: {  	[smem:$0x3FB3] =	sst s7  }
0x10: {  	[smem:$0x3FB4] =	sst s8  }
0x11: {  	[smem:$0x3FB5] =	sst s9;
	s0 =	simm.s32 @!p0 $0x0  }
0x12: {  	s1 =	sld [smem:$0x3F9B];
	s0 =	simm.s32 @p0 $0x1  }
0x13: {  	[smem:$0x3FB6] =	sst s0;
	s0 =	simm.s32 @!p1 $0x0  }
0x14: {  	s2 =	sld [smem:$0x3F9A];
	s0 =	simm.s32 @p1 $0x1  }
0x15: {  	[smem:$0x3FB7] =	sst s0;
	s0 =	simm.s32 @!p2 $0x0  }
0x16: {  	s3 =	sld [smem:$0x3FDB];
	s0 =	simm.s32 @p2 $0x1  }
0x17: {  	s4 =	simm.s32 $0x1BF5;
	[smem:$0x3FB9] =	sst s0  }
0x18: {  	s0 =	sld [smem:$0x3F9C];
	_ =	swait.ge [sflag:s4], $0x0  }
0x19: {  	s7 =	sld [smem:$0x3F9D]  }
0x1a: {  	s8 =	sadd.s32 $0xFFFFE003, lr  }
0x1b: {  	s9 =	sadd.s32 $0xFFFFFEF7, lr;
	s5 =	simm.s32 $0xFFFFFFFF;
	p2 =	slt.u32 s8, $0xFFFFF086  }
0x1c: {  	p1 =	slt.u32 s9, $0xF7A;
	s5 =	simm.s32 @!p2 $0x0  }
0x1d: {  	s5 =	simm.s32 @p1 $0x1;
	p0 =	seq.s32 s7, s2  }
0x1e: {  	s7 =	smul.u32 @!p0 $0xF7A, s2;
	p2 =	seq.s32 @!p0 s5, $0x0  }
0x1f: {  	s9 =	smul.u32 $0xF7A, s1;
	s8 =	simm.s32 @!p0 $0x1BF5;
	p2 =	por !p2, p0  }
0x20: {  	[sflag:s8] =	ssyncset.s32 @!p0 $0xFFFFF086;
	s6 =	sadd.s32 @!p0 s3, s7;
	s7 =	simm.s32 @!p0 $0x108  }
0x21: {  	s3 =	sadd.s32 s3, s9;
	s6 =	sadd.s32 @!p0 $0x88, s6;
	s7 =	simm.s32 @p2 $0x1082  }
0x22: {  	[simem:s7], [sflag:s8] =	dma.local @!p0 [hbm:s6], $0xF7A  }
0x23: {  	s9 =	sor.u32 $0xD0000000, s2;
	s6 =	simm.s32 $0x108;
	_ =	swait.ge @!p0 [sflag:s8], $0x0  }
0x24: {  	s3 =	sadd.s32 $0x88, s3;
	s6 =	simm.s32 @!p1 $0x1082;
	[sflag:s4] =	ssyncset.s32 $0xFFFFF086  }
0x25: {  	[simem:s6], [sflag:s4] =	dma.local [hbm:s3], $0xF7A  }
0x26: {  	[smem:$0x3F9D] =	sst s1;
	(tag) =	ssettag s2;
	_ =	strace s9  }
0x27: {  	s1 =	sld [smem:$0x3FAD]  }
0x28: {  	s2 =	sld [smem:$0x3FAE]  }
0x29: {  	s4 =	sld [smem:$0x3FB0]  }
0x2a: {  	p0 =	seq.s32 s5, $0x0;
	s5 =	sld [smem:$0x3FB1]  }
0x2b: {  	s6 =	sld [smem:$0x3FB2]  }
0x2c: {  	s7 =	sld [smem:$0x3FB3]  }
0x2d: {  	s3 =	simm.s32 $0x108;
	s8 =	sld [smem:$0x3FB4]  }
0x2e: {  	s3 =	simm.s32 @!p0 $0x1082;
	s9 =	sld [smem:$0x3FB5]  }
0x2f: {  	lr =	sadd.s32 s0, s3;
	s0 =	sld [smem:$0x3FAC]  }
0x30: {  	s3 =	sld [smem:$0x3FAF]  }
0x31: {  	[smem:$0x3FB8] =	sst s10  }
0x32: {  	s10 =	sld [smem:$0x3FB6];
	_ =	sdelay $0x3  }
0x33: {  	p0 =	seq.s32 s10, $0x1;
	s10 =	sld [smem:$0x3FB8];
	_ =	sdelay $0x3  }
0x34: {  	[smem:$0x3FB8] =	sst s10  }
0x35: {  	s10 =	sld [smem:$0x3FB7];
	_ =	sdelay $0x3  }
0x36: {  	p1 =	seq.s32 s10, $0x1;
	s10 =	sld [smem:$0x3FB8];
	_ =	sdelay $0x3  }
0x37: {  	[smem:$0x3FB8] =	sst s10  }
0x38: {  	s10 =	sld [smem:$0x3FB9]  }
0x39: {  	_ = 	snop;
	(pc) =	sbr.ind lr, $3  }
0x3a: {  	_ = 	snop  }
0x3b: {  	_ = 	snop  }
0x3c: {  	p2 =	seq.s32 s10, $0x1;
	s10 =	sld [smem:$0x3FB8]  }
0x3d: {  	_ =	shalt  }
0x3e: {  	_ =	shalt  }
0x3f: {  	_ =	shalt  }
0x40: {  	_ =	shalt  }
0x41: {  	_ =	shalt  }
0x42: {  	_ =	shalt  }
0x43: {  	_ =	shalt  }
0x44: {  	_ =	shalt  }
0x45: {  	_ =	shalt  }
0x46: {  	_ =	shalt  }
0x47: {  	_ =	shalt  }
0x48: {  	_ =	shalt  }
0x49: {  	_ =	shalt  }
0x4a: {  	_ =	shalt  }
0x4b: {  	_ =	shalt  }
0x4c: {  	_ =	shalt  }
0x4d: {  	_ =	shalt  }
0x4e: {  	_ =	shalt  }
0x4f: {  	_ =	shalt  }
0x50: {  	_ =	shalt  }
0x51: {  	_ =	shalt  }
0x52: {  	_ =	shalt  }
0x53: {  	_ =	shalt  }
0x54: {  	_ =	shalt  }
0x55: {  	_ =	shalt  }
0x56: {  	_ =	shalt  }
0x57: {  	_ =	shalt  }
0x58: {  	_ =	shalt  }
0x59: {  	_ =	shalt  }
0x5a: {  	_ =	shalt  }
0x5b: {  	_ =	shalt  }
0x5c: {  	_ =	shalt  }
0x5d: {  	_ =	shalt  }
0x5e: {  	_ =	shalt  }
0x5f: {  	_ =	shalt  }
0x60: {  	_ =	shalt  }
0x61: {  	_ =	shalt  }
0x62: {  	_ =	shalt  }
0x63: {  	_ =	shalt  }
0x64: {  	_ =	shalt  }
0x65: {  	_ =	shalt  }
0x66: {  	_ =	shalt  }
0x67: {  	_ =	shalt  }
0x68: {  	_ =	shalt  }
0x69: {  	_ =	shalt  }
0x6a: {  	_ =	shalt  }
0x6b: {  	_ =	shalt  }
0x6c: {  	_ =	shalt  }
0x6d: {  	_ =	shalt  }
0x6e: {  	_ =	shalt  }
0x6f: {  	_ =	shalt  }
0x70: {  	_ =	shalt  }
0x71: {  	_ =	shalt  }
0x72: {  	_ =	shalt  }
0x73: {  	_ =	shalt  }
0x74: {  	_ =	shalt  }
0x75: {  	_ =	shalt  }
0x76: {  	_ =	shalt  }
0x77: {  	_ =	shalt  }
0x78: {  	_ =	shalt  }
0x79: {  	_ =	shalt  }
0x7a: {  	_ =	shalt  }
0x7b: {  	_ =	shalt  }
0x7c: {  	_ =	shalt  }
0x7d: {  	_ =	shalt  }
0x7e: {  	_ =	shalt  }
0x7f: {  	_ =	shalt  }
0x80: {  	_ =	shalt  }
0x81: {  	_ =	shalt  }
0x82: {  	_ =	shalt  }
0x83: {  	_ =	shalt  }
0x84: {  	_ =	shalt  }
0x85: {  	_ =	shalt  }
0x86: {  	_ =	shalt  }
0x87: {  	_ =	shalt  }
.Lfunc_end0:
.L_simem_size_0:
called_computation_lowered:
.L_overlay_start_0:
0x88: {  	s2 =	sld [smem:$0x3FD9]  }
0x89: {  	s3 =	sld [smem:$0x3FFE];
	_ =	sdelay $0x1  }
0x8a: {  	s1 =	srdreg.scid  }
0x8b: {  	s0 =	sand.u32 $0x1, s1  }
0x8c: {  	s14 =	sshll.u32 s0, $0xA;
	s2 =	sadd.s32 s3, s2  }
0x8d: {  	s2 =	sadd.s32 s2, s14  }
0x8e: {  	[smem:$0x3FC4] =	sst s2  }
0x8f: {  	_ = 	snop  }
0x90: {  	s2 =	sld [smem:$0x3FD0];
	_ =	sdelay $0x1  }
0x91: {  	s15 =	sld [smem:$0x3FC7]  }
0x92: {  	s5 =	simm.s32 $0xA;
	s6 =	simm.s32 $0x10;
	s4 =	sld [smem:$0x3FC6]  }
0x93: {  	[smem:s6], [sflag:s5] =	dma.local [hbm:s2], $0x1  }
0x94: {  	_ =	swait.eq [sflag:s5], $0x1  }
0x95: {  	[sflag:s5] =	ssyncset.done $0x0  }
0x96: {  	s16 =	sld [smem:$0x10];
	[sflag:s5] =	ssyncadd.s32 $0xFFFFFFFF  }
0x97: {  	s17 =	sld [smem:$0x11];
	(tm) =	ssettm $0x1  }
0x98: {  	s18 =	sld [smem:$0x3FFB];
	_ =	sdelay $0x3  }
0x99: {  	_ =	strace s18  }
0x9a: {  	s6 =	sld [smem:$0x3FFC];
	_ =	sdelay $0x3  }
0x9b: {  	_ =	strace s6  }
0x9c: {  	s6 =	sld [smem:$0x3FFD];
	_ =	sdelay $0x3  }
0x9d: {  	_ =	strace s6  }
0x9e: {  	_ =	strace $0x8FFFFFFF  }
0x9f: {  	s19 =	sld [smem:$0x3FDB];
	_ =	sdelay $0x1  }
0xa0: {  	s7 =	simm.s32 $_scs_section_size  }
0xa1: {  	s8 =	simm.s32 $_size__tile_overlayer_lowered;
	s9 =	simm.s32 $_tile_overlayer_lowered  }
0xa2: {  	s22 =	simm.s32 $0x1BFF;
	s21 =	sshll.u32 s9, $0x1;
	s6 =	sadd.s32 s7, s19  }
0xa3: {  	s10 =	simm.s32 $0x0;
	s20 =	sshll.u32 s8, $0x1;
	s8 =	sadd.s32 s21, s6  }
0xa4: {  	[timem:s10], [sflag:s22] =	dma.local [hbm:s8], s20  }
0xa5: {  	_ =	swait.ge [sflag:s22], s20  }
0xa6: {  	s7 =	ssub.s32 $0x0, s20;
	[sflag:s22] =	ssyncset.done $0x0  }
0xa7: {  	[sflag:s22] =	ssyncadd.s32 s7;
	_ =	sdelay $0x1  }
0xa8: {  	s23 =	simm.s32 $0x1B8B  }
0xa9: {  	_ =	swait.ge [sflag:s23], $0x1  }
0xaa: {  	[sflag:s23] =	ssyncset.done $0x0  }
0xab: {  	s25 =	simm.s32 $0x1B8E;
	s24 =	sld [smem:$0x3FFE];
	[sflag:s23] =	ssyncadd.s32 $0xFFFFFFFF  }
0xac: {  	s26 =	simm.s32 $execute0_lowered;
	[smem:$0x3FD2] =	sst s25  }
0xad: {  	s8 =	sshll.u32 s26, $0x1;
	_ =	strace $0x80000046;
	[dreg:$0x1] =	wrdreg $0xFFFFFFFF  }
0xae: {  	s28 =	simm.s32 $_size_execute0_lowered;
	s6 =	sadd.s32 s6, s8;
	[dreg:$0x0] =	wrdreg $0x0  }
0xaf: {  	s8 =	sshll.u32 s28, $0x1;
	[dreg:$0x2] =	wrdreg s6  }
0xb0: {  	[dreg:$0x3] =	wrdreg s8  }
0xb1: {  	[dreg:$0x4] =	wrdreg $0xC0  }
0xb2: {  	_ =	task [dreg:s10], $0x5FFFF  }
0xb3: {  	[dreg:$0x1] =	wrdreg $0xFFFFFFFF  }
0xb4: {  	[dreg:$0x0] =	wrdreg $0x60  }
0xb5: {  	[dreg:$0x2] =	wrdreg s24  }
0xb6: {  	[dreg:$0x3] =	wrdreg s15  }
0xb7: {  	[dreg:$0x4] =	wrdreg s4  }
0xb8: {  	[dreg:$0x5] =	wrdreg s16  }
0xb9: {  	[dreg:$0x6] =	wrdreg s17  }
0xba: {  	[dreg:$0x7] =	wrdreg $0x9  }
0xbb: {  	_ =	task.clear_ibuf [dreg:s10], $0x8FFFF;
	_ =	strace $0x90000046  }
0xbc: {  	s29 =	simm.s32 $0x9;
	_ =	strace $0x80000048  }
0xbd: {  	_ =	swait.ge [sflag:s29], $0x1  }
0xbe: {  	[sflag:s29] =	ssyncadd.s32 $0xFFFFFFFF  }
0xbf: {  	_ =	strace $0x90000048  }
0xc0: {  	_ =	sfence  }
0xc1: {  	s30 =	sld [smem:$0x0];
	_ =	sdelay $0x2  }
0xc2: {  	s31 =	sshll.u32 s1, $0xD;
	s1 =	sshrl.u32 s1, $0x2  }
0xc3: {  	s3 =	sand.u32 $0x4000, s31;
	s1 =	sadd.s32 s1, s30  }
0xc4: {  	s0 =	sor.u32 s3, s0;
	s1 =	sshll.u32 s1, $0x11  }
0xc5: {  	s0 =	sor.u32 s1, s0  }
0xc6: {  	s0 =	sadd.s32 $0x8F2B, s0  }
0xc7: {  	[sflag:s0] =	ssyncadd.remote.s32 $0x1  }
0xc8: {  	_ =	sfence.sel $0xFFFF  }
0xc9: {  	[dreg:$0x0] =	wrdreg $0xFFFFFFFF;
	(pc) =	sbr.abs _section_cstart, $3  }
0xca: {  	[dreg:$0x1] =	wrdreg $0xFFFFFFFF  }
0xcb: {  	_ =	task.clear_ibuf [dreg:s10], $0x2FFFF;
	_ =	strace $0x9FFFFFFF  }
0xcc: {  	(tm) =	ssettm $0x7FFFFFFF  }
0xcd: {  	_ =	shalt  }
tec
execute0_lowered:
.L_overlay_start_1:
0x0: {  	(tag) =	ssettag $0x1  }
0x1: {  	s0 =	srdreg.scid;
	s16 =	stileid.u32  }
0x2: {  	s2 =	rddreg [dreg:$0x0];
	s0 =	sand.u32 $0x1, s0;
	s1 =	sshll.u32 s16, $0x1  }
0x3: {  	s3 =	rddreg [dreg:$0x3];
	s4 =	sor.u32 s0, s1  }
0x4: {  	s5 =	rddreg [dreg:$0x4];
	s6 =	smul.u32 $0xC80, s4  }
0x5: {  	s7 =	ssub.s32 $0x2, s0;
	s1 =	simm.s32 $0x0;
	s9 =	smul.u32 $0x64000, s4  }
0x6: {  	s8 =	sshrl.u32 s7, $0x1;
	[smem:$0x7FF] =	sst s1  }
0x7: {  	s2 =	sadd.s32 s6, s2;
	s6 =	ssub.s32 s7, s8;
	s8 =	sor.u32 $0x800, s9  }
0x8: {  	s18 =	sor.u32 $0x1000, s9;
	s10 =	sadd.s32 s3, s9;
	s21 =	sor.u32 $0x1800, s9  }
0x9: {  	s11 =	sor.u32 $0x2000, s9;
	s9 =	sadd.s32 s5, s9;
	[dreg:$0x6] =	wrdreg s10  }
0xa: {  	s19 =	sadd.s32 s3, s8;
	[dreg:$0xf] =	wrdreg s9  }
0xb: {  	s20 =	sadd.s32 s3, s18;
	[dreg:$0x7] =	wrdreg s19  }
0xc: {  	s12 =	sadd.s32 s3, s21;
	[dreg:$0x8] =	wrdreg s20  }
0xd: {  	s22 =	sadd.s32 s3, s11;
	[dreg:$0x9] =	wrdreg s12  }
0xe: {  	s4 =	smul.u32 $0x320000, s4;
	s7 =	sadd.s32 s5, s8;
	[dreg:$0xa] =	wrdreg s22  }
0xf: {  	s31 =	simm.s32 $0xB;
	s9 =	sadd.s32 s5, s18;
	[dreg:$0x10] =	wrdreg s7  }
0x10: {  	s4 =	sshrl.u32 s4, $0x3;
	s10 =	sadd.s32 s5, s21;
	[dreg:$0x11] =	wrdreg s9  }
0x11: {  	s23 =	sadd.s32 $0x61800, s4;
	s11 =	sadd.s32 s5, s11;
	[dreg:$0x12] =	wrdreg s10  }
0x12: {  	s24 =	sadd.s32 $0x62000, s4;
	s13 =	sadd.s32 s3, s23;
	[dreg:$0x13] =	wrdreg s11  }
0x13: {  	s15 =	sadd.s32 s3, s24;
	s18 =	sadd.s32 s5, s24;
	s24 =	rddreg [dreg:$0x2]  }
0x14: {  	s28 =	simm.s32 $0x0;
	s14 =	sadd.s32 $0x62800, s4;
	[dreg:$0xb] =	wrdreg s13  }
0x15: {  	s26 =	sadd.s32 $0x63000, s4;
	s25 =	sadd.s32 s3, s14;
	[dreg:$0xc] =	wrdreg s15  }
0x16: {  	s0 =	smul.u32 $0x64000, s0;
	s17 =	sadd.s32 s3, s26;
	[dreg:$0xd] =	wrdreg s25  }
0x17: {  	s4 =	sadd.s32 $0x63800, s4;
	s21 =	smul.u32 $0xC8000, s16;
	[dreg:$0xe] =	wrdreg s17  }
0x18: {  	s8 =	simm.s32 $0x12400;
	s19 =	sadd.s32 s5, s14;
	[dreg:$0x15] =	wrdreg s18  }
0x19: {  	s16 =	simm.s32 $0x7;
	s20 =	sadd.s32 s5, s26;
	[dreg:$0x16] =	wrdreg s19  }
0x1a: {  	s22 =	sadd.s32 s3, s4;
	s4 =	sadd.s32 s5, s4;
	[dreg:$0x17] =	wrdreg s20  }
0x1b: {  	s26 =	smax.u32 s6, $0x1;
	s6 =	simm.s32 $0x2;
	s20 =	rddreg [dreg:$0x1]  }
0x1c: {  	s9 =	simm.s32 $0x3;
	s11 =	simm.s32 $0x16400;
	[dreg:$0x18] =	wrdreg s22  }
0x1d: {  	s12 =	simm.s32 $0x4;
	s17 =	sadd.s32 s5, s23;
	[dreg:$0x19] =	wrdreg s4  }
0x1e: {  	s3 =	sadd.s32 s21, s3;
	s23 =	sadd.s32 s21, s5;
	s25 =	sadd.s32 $0xA00, s2  }
0x1f: {  	s2 =	sadd.s32 $0x19A00, s2;
	s21 =	simm.s32 $0x80;
	s5 =	simm.s32 $0xE400  }
0x20: {  	s13 =	simm.s32 $0x6;
	s15 =	simm.s32 $0x5;
	s18 =	simm.s32 $0x8  }
0x21: {  	s19 =	simm.s32 $0x9;
	s22 =	simm.s32 $0xA;
	[dreg:$0x14] =	wrdreg s17  }
0x22: {  	s3 =	sadd.s32 s0, s3;
	_ =	strace $0x80000047;
	[dreg:$0x1a] =	wrdreg s25  }
0x23: {  	s0 =	sadd.s32 s0, s23;
	s17 =	simm.s32 $0x300;
	[dreg:$0x1b] =	wrdreg s2  }
0x24: {  	s23 =	simm.s32 $0x6280;
	[dreg:$0x1c] =	wrdreg s26;
	s29 =	sadd.s32 $0x2800, s3  }
0x25: {  	s30 =	sadd.s32 $0x2800, s0;
	s0 =	simm.s32 $0x6400;
	s2 =	simm.s32 $0xA400  }
0x26: {  	s3 =	simm.s32 $0x1;
	s25 =	simm.s32 $0x6300;
	s26 =	simm.s32 $0x6380  }
.LBB2_1:
0x27: {  	s4 =	rddreg [dreg:$0x1a]  }
0x28: {  	[tilespmem:s1], [sflag:$0xB] =	stream.linear.gather [hbm4b:s4+s1], $0x6400, $0x38;
	[tilespmem:$0x1A400] =	vst v63  }
0x29: {  	_ =	swait.ge [sflag:s31], $0x6400  }
0x2a: {  	[sflag:s31] =	ssyncset.done $0x0  }
0x2b: {  	[sflag:s31] =	ssyncadd.s32 $0xFFFF9C00  }
0x2c: {  	[tilespmem:s0], [sflag:$0x1] =	stream.indirect.gather [hbm4b:s20+s21], $0x80, s1, s21, $0xb8;
	[tilespmem:$0x1A400] =	vst v63  }
0x2d: {  	_ = 	snop  }
0x2e: {  	[tilespmem:s2], [sflag:$0x2] =	stream.indirect.gather [hbm4b:s20+s21], $0x80, s21, s21, $0xb8;
	[tilespmem:$0x1A400] =	vst v63  }
0x2f: {  	_ =	swait.ge [sflag:s3], $0x4000  }
0x30: {  	[sflag:s3] =	ssyncset.done $0x0  }
0x31: {  	s10 =	rddreg [dreg:$0x6];
	[sflag:s3] =	ssyncadd.s32 $0xFFFFC000  }
0x32: {  	[hbm4b:s10+s1] =	stream.linear.scatter [tilespmem:s0], [sflag:$0x6], $0x4000, $0x38;
	[tilespmem:$0x1A400] =	vst v63  }
0x33: {  	s14 =	simm.s32 $0x100  }
0x34: {  	[tilespmem:s5], [sflag:$0x3] =	stream.indirect.gather [hbm4b:s20+s21], $0x80, s14, s21, $0xb8;
	[tilespmem:$0x1A400] =	vst v63  }
0x35: {  	_ =	swait.ge [sflag:s6], $0x4000  }
0x36: {  	[sflag:s6] =	ssyncset.done $0x0  }
0x37: {  	s7 =	rddreg [dreg:$0x7];
	[sflag:s6] =	ssyncadd.s32 $0xFFFFC000  }
0x38: {  	[hbm4b:s7+s1] =	stream.linear.scatter [tilespmem:s2], [sflag:$0x7], $0x4000, $0x38;
	[tilespmem:$0x1A400] =	vst v63  }
0x39: {  	s10 =	simm.s32 $0x180  }
0x3a: {  	[tilespmem:s8], [sflag:$0x4] =	stream.indirect.gather [hbm4b:s20+s21], $0x80, s10, s21, $0xb8;
	[tilespmem:$0x1A400] =	vst v63  }
0x3b: {  	_ =	swait.ge [sflag:s9], $0x4000  }
0x3c: {  	[sflag:s9] =	ssyncset.done $0x0  }
0x3d: {  	s14 =	rddreg [dreg:$0x8];
	[sflag:s9] =	ssyncadd.s32 $0xFFFFC000  }
0x3e: {  	[hbm4b:s14+s1] =	stream.linear.scatter [tilespmem:s5], [sflag:$0x8], $0x4000, $0x38;
	[tilespmem:$0x1A400] =	vst v63  }
0x3f: {  	s7 =	simm.s32 $0x200  }
0x40: {  	[tilespmem:s11], [sflag:$0x5] =	stream.indirect.gather [hbm4b:s20+s21], $0x80, s7, s21, $0xb8;
	[tilespmem:$0x1A400] =	vst v63  }
0x41: {  	_ =	swait.ge [sflag:s12], $0x4000  }
0x42: {  	[sflag:s12] =	ssyncset.done $0x0  }
0x43: {  	s10 =	rddreg [dreg:$0x9];
	[sflag:s12] =	ssyncadd.s32 $0xFFFFC000  }
0x44: {  	[hbm4b:s10+s1] =	stream.linear.scatter [tilespmem:s8], [sflag:$0x9], $0x4000, $0x38;
	[tilespmem:$0x1A400] =	vst v63  }
0x45: {  	_ =	swait.ge [sflag:s13], $0x4000  }
0x46: {  	[sflag:s13] =	ssyncset.done $0x0  }
0x47: {  	s14 =	simm.s32 $0x280;
	[sflag:s13] =	ssyncadd.s32 $0xFFFFC000  }
0x48: {  	[tilespmem:s0], [sflag:$0x1] =	stream.indirect.gather [hbm4b:s20+s21], $0x80, s14, s21, $0xb8;
	[tilespmem:$0x1A400] =	vst v63  }
0x49: {  	_ =	swait.ge [sflag:s15], $0x4000  }
0x4a: {  	[sflag:s15] =	ssyncset.done $0x0  }
0x4b: {  	s7 =	rddreg [dreg:$0xa];
	[sflag:s15] =	ssyncadd.s32 $0xFFFFC000  }
0x4c: {  	[hbm4b:s7+s1] =	stream.linear.scatter [tilespmem:s11], [sflag:$0xA], $0x4000, $0x38;
	[tilespmem:$0x1A400] =	vst v63  }
0x4d: {  	_ =	swait.ge [sflag:s16], $0x4000  }
0x4e: {  	[sflag:s16] =	ssyncset.done $0x0  }
0x4f: {  	[sflag:s16] =	ssyncadd.s32 $0xFFFFC000  }
0x50: {  	[tilespmem:s2], [sflag:$0x2] =	stream.indirect.gather [hbm4b:s20+s21], $0x80, s17, s21, $0xb8;
	[tilespmem:$0x1A400] =	vst v63  }
0x51: {  	_ =	swait.ge [sflag:s3], $0x4000  }
0x52: {  	[sflag:s3] =	ssyncset.done $0x0  }
0x53: {  	[sflag:s3] =	ssyncadd.s32 $0xFFFFC000  }
0x54: {  	[hbm4b:s29+s1] =	stream.linear.scatter [tilespmem:s0], [sflag:$0x6], $0x4000, $0x38;
	[tilespmem:$0x1A400] =	vst v63  }
0x55: {  	_ =	swait.ge [sflag:s18], $0x4000  }
0x56: {  	[sflag:s18] =	ssyncset.done $0x0  }
0x57: {  	s10 =	simm.s32 $0x380;
	[sflag:s18] =	ssyncadd.s32 $0xFFFFC000  }
0x58: {  	[tilespmem:s5], [sflag:$0x3] =	stream.indirect.gather [hbm4b:s20+s21], $0x80, s10, s21, $0xb8;
	[tilespmem:$0x1A400] =	vst v63  }
0x59: {  	_ =	swait.ge [sflag:s6], $0x4000  }
0x5a: {  	[sflag:s6] =	ssyncset.done $0x0  }
0x5b: {  	s14 =	sadd.s32 $0x800, s29;
	[sflag:s6] =	ssyncadd.s32 $0xFFFFC000  }
0x5c: {  	[hbm4b:s14+s1] =	stream.linear.scatter [tilespmem:s2], [sflag:$0x7], $0x4000, $0x38;
	[tilespmem:$0x1A400] =	vst v63  }
0x5d: {  	_ =	swait.ge [sflag:s19], $0x4000  }
0x5e: {  	[sflag:s19] =	ssyncset.done $0x0  }
0x5f: {  	s7 =	simm.s32 $0x400;
	[sflag:s19] =	ssyncadd.s32 $0xFFFFC000  }
0x60: {  	[tilespmem:s8], [sflag:$0x4] =	stream.indirect.gather [hbm4b:s20+s21], $0x80, s7, s21, $0xb8;
	[tilespmem:$0x1A400] =	vst v63  }
0x61: {  	_ =	swait.ge [sflag:s9], $0x4000  }
0x62: {  	[sflag:s9] =	ssyncset.done $0x0  }
0x63: {  	s10 =	sadd.s32 $0x1000, s29;
	[sflag:s9] =	ssyncadd.s32 $0xFFFFC000  }
0x64: {  	[hbm4b:s10+s1] =	stream.linear.scatter [tilespmem:s5], [sflag:$0x8], $0x4000, $0x38;
	[tilespmem:$0x1A400] =	vst v63  }
0x65: {  	_ =	swait.ge [sflag:s22], $0x4000  }
0x66: {  	[sflag:s22] =	ssyncset.done $0x0  }
0x67: {  	s14 =	simm.s32 $0x480;
	[sflag:s22] =	ssyncadd.s32 $0xFFFFC000  }
0x68: {  	[tilespmem:s11], [sflag:$0x5] =	stream.indirect.gather [hbm4b:s20+s21], $0x80, s14, s21, $0xb8;
	[tilespmem:$0x1A400] =	vst v63  }
0x69: {  	_ =	swait.ge [sflag:s12], $0x4000  }
0x6a: {  	[sflag:s12] =	ssyncset.done $0x0  }
0x6b: {  	s7 =	sadd.s32 $0x1800, s29;
	[sflag:s12] =	ssyncadd.s32 $0xFFFFC000  }
0x6c: {  	[hbm4b:s7+s1] =	stream.linear.scatter [tilespmem:s8], [sflag:$0x9], $0x4000, $0x38;
	[tilespmem:$0x1A400] =	vst v63  }
0x6d: {  	_ =	swait.ge [sflag:s13], $0x4000  }
0x6e: {  	[sflag:s13] =	ssyncset.done $0x0  }
0x6f: {  	s10 =	simm.s32 $0x500;
	[sflag:s13] =	ssyncadd.s32 $0xFFFFC000  }
0x70: {  	[tilespmem:s0], [sflag:$0x1] =	stream.indirect.gather [hbm4b:s20+s21], $0x80, s10, s21, $0xb8;
	[tilespmem:$0x1A400] =	vst v63  }
0x71: {  	_ =	swait.ge [sflag:s15], $0x4000  }
0x72: {  	[sflag:s15] =	ssyncset.done $0x0  }
0x73: {  	s14 =	sadd.s32 $0x2000, s29;
	[sflag:s15] =	ssyncadd.s32 $0xFFFFC000  }
0x74: {  	[hbm4b:s14+s1] =	stream.linear.scatter [tilespmem:s11], [sflag:$0xA], $0x4000, $0x38;
	[tilespmem:$0x1A400] =	vst v63  }
0x75: {  	_ =	swait.ge [sflag:s16], $0x4000  }
0x76: {  	s4 =	simm.s32 $0xA00;
	[sflag:s16] =	ssyncset.done $0x0  }
0x77: {  	s7 =	sadd.s32 $0x2800, s29;
	s10 =	simm.s32 $0x580;
	[sflag:s16] =	ssyncadd.s32 $0xFFFFC000  }
.LBB2_2:
0x78: {  	[tilespmem:s2], [sflag:$0x2] =	stream.indirect.gather [hbm4b:s20+s21], $0x80, s10, s21, $0xb8;
	[tilespmem:$0x1A400] =	vst v63  }
0x79: {  	s10 =	smov.u32 s4  }
0x7a: {  	p0 =	sne.s32 s4, $0x17200;
	s4 =	sadd.s32 $0xA00, s4;
	_ =	swait.ge [sflag:s3], $0x4000  }
0x7b: {  	[sflag:s3] =	ssyncset.done $0x0  }
0x7c: {  	[sflag:s3] =	ssyncadd.s32 $0xFFFFC000  }
0x7d: {  	[hbm4b:s7+s1] =	stream.linear.scatter [tilespmem:s0], [sflag:$0x6], $0x4000, $0x38;
	[tilespmem:$0x1A400] =	vst v63  }
0x7e: {  	_ =	swait.ge [sflag:s18], $0x4000  }
0x7f: {  	s10 =	sshra.s32 s10, $0x2;
	[sflag:s18] =	ssyncset.done $0x0  }
0x80: {  	s14 =	sadd.s32 $0x380, s10;
	[sflag:s18] =	ssyncadd.s32 $0xFFFFC000  }
0x81: {  	[tilespmem:s5], [sflag:$0x3] =	stream.indirect.gather [hbm4b:s20+s21], $0x80, s14, s21, $0xb8;
	[tilespmem:$0x1A400] =	vst v63  }
0x82: {  	_ =	swait.ge [sflag:s6], $0x4000  }
0x83: {  	[sflag:s6] =	ssyncset.done $0x0  }
0x84: {  	s14 =	sadd.s32 $0x800, s7;
	[sflag:s6] =	ssyncadd.s32 $0xFFFFC000  }
0x85: {  	[hbm4b:s14+s1] =	stream.linear.scatter [tilespmem:s2], [sflag:$0x7], $0x4000, $0x38;
	[tilespmem:$0x1A400] =	vst v63  }
0x86: {  	_ =	swait.ge [sflag:s19], $0x4000  }
0x87: {  	[sflag:s19] =	ssyncset.done $0x0  }
0x88: {  	s14 =	sadd.s32 $0x400, s10;
	[sflag:s19] =	ssyncadd.s32 $0xFFFFC000  }
0x89: {  	[tilespmem:s8], [sflag:$0x4] =	stream.indirect.gather [hbm4b:s20+s21], $0x80, s14, s21, $0xb8;
	[tilespmem:$0x1A400] =	vst v63  }
0x8a: {  	_ =	swait.ge [sflag:s9], $0x4000  }
0x8b: {  	[sflag:s9] =	ssyncset.done $0x0  }
0x8c: {  	s14 =	sadd.s32 $0x1000, s7;
	[sflag:s9] =	ssyncadd.s32 $0xFFFFC000  }
0x8d: {  	[hbm4b:s14+s1] =	stream.linear.scatter [tilespmem:s5], [sflag:$0x8], $0x4000, $0x38;
	[tilespmem:$0x1A400] =	vst v63  }
0x8e: {  	_ =	swait.ge [sflag:s22], $0x4000  }
0x8f: {  	[sflag:s22] =	ssyncset.done $0x0  }
0x90: {  	s14 =	sadd.s32 $0x480, s10;
	[sflag:s22] =	ssyncadd.s32 $0xFFFFC000  }
0x91: {  	[tilespmem:s11], [sflag:$0x5] =	stream.indirect.gather [hbm4b:s20+s21], $0x80, s14, s21, $0xb8;
	[tilespmem:$0x1A400] =	vst v63  }
0x92: {  	_ =	swait.ge [sflag:s12], $0x4000  }
0x93: {  	[sflag:s12] =	ssyncset.done $0x0  }
0x94: {  	s14 =	sadd.s32 $0x1800, s7;
	[sflag:s12] =	ssyncadd.s32 $0xFFFFC000  }
0x95: {  	[hbm4b:s14+s1] =	stream.linear.scatter [tilespmem:s8], [sflag:$0x9], $0x4000, $0x38;
	[tilespmem:$0x1A400] =	vst v63  }
0x96: {  	_ =	swait.ge [sflag:s13], $0x4000  }
0x97: {  	[sflag:s13] =	ssyncset.done $0x0  }
0x98: {  	s14 =	sadd.s32 $0x500, s10;
	[sflag:s13] =	ssyncadd.s32 $0xFFFFC000  }
0x99: {  	[tilespmem:s0], [sflag:$0x1] =	stream.indirect.gather [hbm4b:s20+s21], $0x80, s14, s21, $0xb8;
	[tilespmem:$0x1A400] =	vst v63  }
0x9a: {  	_ =	swait.ge [sflag:s15], $0x4000  }
0x9b: {  	[sflag:s15] =	ssyncset.done $0x0  }
.Ltmp0:
0x9c: {  	s14 =	sadd.s32 $0x2000, s7;
	[sflag:s15] =	ssyncadd.s32 $0xFFFFC000;
	(pc) =	sbr.rel @p0 .LBB2_2-.Ltmp0, $4  }
0x9d: {  	[hbm4b:s14+s1] =	stream.linear.scatter [tilespmem:s11], [sflag:$0xA], $0x4000, $0x38;
	[tilespmem:$0x1A400] =	vst v63  }
0x9e: {  	_ =	swait.ge [sflag:s16], $0x4000  }
0x9f: {  	[sflag:s16] =	ssyncset.done $0x0  }
0xa0: {  	s10 =	sadd.s32 $0x580, s10;
	s7 =	sadd.s32 $0x2800, s7;
	[sflag:s16] =	ssyncadd.s32 $0xFFFFC000  }
0xa1: {  	[tilespmem:s2], [sflag:$0x2] =	stream.indirect.gather [hbm4b:s20+s21], $0x80, s10, s21, $0xb8;
	[tilespmem:$0x1A400] =	vst v63  }
0xa2: {  	_ =	swait.ge [sflag:s3], $0x4000  }
0xa3: {  	[sflag:s3] =	ssyncset.done $0x0  }
0xa4: {  	s4 =	simm.s32 $0x0;
	s7 =	rddreg [dreg:$0xb];
	[sflag:s3] =	ssyncadd.s32 $0xFFFFC000  }
0xa5: {  	[hbm4b:s7+s4] =	stream.linear.scatter [tilespmem:s0], [sflag:$0x6], $0x4000, $0x38;
	[tilespmem:$0x1A400] =	vst v63  }
0xa6: {  	_ =	swait.ge [sflag:s18], $0x4000  }
0xa7: {  	[sflag:s18] =	ssyncset.done $0x0  }
0xa8: {  	[sflag:s18] =	ssyncadd.s32 $0xFFFFC000  }
0xa9: {  	[tilespmem:s5], [sflag:$0x3] =	stream.indirect.gather [hbm4b:s20+s21], $0x80, s23, s21, $0xb8;
	[tilespmem:$0x1A400] =	vst v63  }
0xaa: {  	_ =	swait.ge [sflag:s6], $0x4000  }
0xab: {  	[sflag:s6] =	ssyncset.done $0x0  }
0xac: {  	s10 =	rddreg [dreg:$0xc];
	[sflag:s6] =	ssyncadd.s32 $0xFFFFC000  }
0xad: {  	[hbm4b:s10+s4] =	stream.linear.scatter [tilespmem:s2], [sflag:$0x7], $0x4000, $0x38;
	[tilespmem:$0x1A400] =	vst v63  }
0xae: {  	_ =	swait.ge [sflag:s19], $0x4000  }
0xaf: {  	[sflag:s19] =	ssyncset.done $0x0  }
0xb0: {  	[sflag:s19] =	ssyncadd.s32 $0xFFFFC000  }
0xb1: {  	[tilespmem:s8], [sflag:$0x4] =	stream.indirect.gather [hbm4b:s20+s21], $0x80, s25, s21, $0xb8;
	[tilespmem:$0x1A400] =	vst v63  }
0xb2: {  	_ =	swait.ge [sflag:s9], $0x4000  }
0xb3: {  	[sflag:s9] =	ssyncset.done $0x0  }
0xb4: {  	s14 =	rddreg [dreg:$0xd];
	[sflag:s9] =	ssyncadd.s32 $0xFFFFC000  }
0xb5: {  	[hbm4b:s14+s4] =	stream.linear.scatter [tilespmem:s5], [sflag:$0x8], $0x4000, $0x38;
	[tilespmem:$0x1A400] =	vst v63  }
0xb6: {  	_ =	swait.ge [sflag:s22], $0x4000  }
0xb7: {  	[sflag:s22] =	ssyncset.done $0x0  }
0xb8: {  	[sflag:s22] =	ssyncadd.s32 $0xFFFFC000  }
0xb9: {  	[tilespmem:s11], [sflag:$0x5] =	stream.indirect.gather [hbm4b:s20+s21], $0x80, s26, s21, $0xb8;
	[tilespmem:$0x1A400] =	vst v63  }
0xba: {  	_ =	swait.ge [sflag:s12], $0x4000  }
0xbb: {  	[sflag:s12] =	ssyncset.done $0x0  }
0xbc: {  	s10 =	rddreg [dreg:$0xe];
	[sflag:s12] =	ssyncadd.s32 $0xFFFFC000  }
0xbd: {  	[hbm4b:s10+s4] =	stream.linear.scatter [tilespmem:s8], [sflag:$0x9], $0x4000, $0x38;
	[tilespmem:$0x1A400] =	vst v63  }
0xbe: {  	_ =	swait.ge [sflag:s13], $0x4000  }
0xbf: {  	[sflag:s13] =	ssyncset.done $0x0  }
0xc0: {  	[sflag:s13] =	ssyncadd.s32 $0xFFFFC000  }
0xc1: {  	_ =	swait.ge [sflag:s15], $0x4000  }
0xc2: {  	[sflag:s15] =	ssyncset.done $0x0  }
0xc3: {  	s14 =	rddreg [dreg:$0x18];
	[sflag:s15] =	ssyncadd.s32 $0xFFFFC000  }
0xc4: {  	[hbm4b:s14+s4] =	stream.linear.scatter [tilespmem:s11], [sflag:$0xA], $0x4000, $0x38;
	[tilespmem:$0x1A400] =	vst v63  }
0xc5: {  	_ =	swait.ge [sflag:s16], $0x4000  }
0xc6: {  	[sflag:s16] =	ssyncset.done $0x0  }
0xc7: {  	[sflag:s16] =	ssyncadd.s32 $0xFFFFC000  }
0xc8: {  	_ =	swait.ge [sflag:s18], $0x4000  }
0xc9: {  	[sflag:s18] =	ssyncset.done $0x0  }
0xca: {  	[sflag:s18] =	ssyncadd.s32 $0xFFFFC000  }
0xcb: {  	_ =	swait.ge [sflag:s19], $0x4000  }
0xcc: {  	[sflag:s19] =	ssyncset.done $0x0  }
0xcd: {  	[sflag:s19] =	ssyncadd.s32 $0xFFFFC000  }
0xce: {  	_ =	swait.ge [sflag:s22], $0x4000  }
0xcf: {  	[sflag:s22] =	ssyncset.done $0x0  }
0xd0: {  	s10 =	rddreg [dreg:$0x1b];
	[sflag:s22] =	ssyncadd.s32 $0xFFFFC000  }
0xd1: {  	[tilespmem:s4], [sflag:$0xB] =	stream.linear.gather [hbm4b:s10+s4], $0x6400, $0x38;
	[tilespmem:$0x1A400] =	vst v63  }
0xd2: {  	_ =	swait.ge [sflag:s31], $0x6400  }
0xd3: {  	[sflag:s31] =	ssyncset.done $0x0  }
0xd4: {  	[sflag:s31] =	ssyncadd.s32 $0xFFFF9C00  }
0xd5: {  	[tilespmem:s0], [sflag:$0x1] =	stream.indirect.gather [hbm4b:s24+s21], $0x80, s4, s21, $0xb8;
	[tilespmem:$0x1A400] =	vst v63  }
0xd6: {  	_ = 	snop  }
0xd7: {  	[tilespmem:s2], [sflag:$0x2] =	stream.indirect.gather [hbm4b:s24+s21], $0x80, s21, s21, $0xb8;
	[tilespmem:$0x1A400] =	vst v63  }
0xd8: {  	_ =	swait.ge [sflag:s3], $0x4000  }
0xd9: {  	[sflag:s3] =	ssyncset.done $0x0  }
0xda: {  	s14 =	rddreg [dreg:$0xf];
	[sflag:s3] =	ssyncadd.s32 $0xFFFFC000  }
0xdb: {  	[hbm4b:s14+s4] =	stream.linear.scatter [tilespmem:s0], [sflag:$0x6], $0x4000, $0x38;
	[tilespmem:$0x1A400] =	vst v63  }
0xdc: {  	s10 =	simm.s32 $0x100  }
0xdd: {  	[tilespmem:s5], [sflag:$0x3] =	stream.indirect.gather [hbm4b:s24+s21], $0x80, s10, s21, $0xb8;
	[tilespmem:$0x1A400] =	vst v63  }
0xde: {  	_ =	swait.ge [sflag:s6], $0x4000  }
0xdf: {  	[sflag:s6] =	ssyncset.done $0x0  }
0xe0: {  	s14 =	rddreg [dreg:$0x10];
	[sflag:s6] =	ssyncadd.s32 $0xFFFFC000  }
0xe1: {  	[hbm4b:s14+s4] =	stream.linear.scatter [tilespmem:s2], [sflag:$0x7], $0x4000, $0x38;
	[tilespmem:$0x1A400] =	vst v63  }
0xe2: {  	s10 =	simm.s32 $0x180  }
0xe3: {  	[tilespmem:s8], [sflag:$0x4] =	stream.indirect.gather [hbm4b:s24+s21], $0x80, s10, s21, $0xb8;
	[tilespmem:$0x1A400] =	vst v63  }
0xe4: {  	_ =	swait.ge [sflag:s9], $0x4000  }
0xe5: {  	[sflag:s9] =	ssyncset.done $0x0  }
0xe6: {  	s14 =	rddreg [dreg:$0x11];
	[sflag:s9] =	ssyncadd.s32 $0xFFFFC000  }
0xe7: {  	[hbm4b:s14+s4] =	stream.linear.scatter [tilespmem:s5], [sflag:$0x8], $0x4000, $0x38;
	[tilespmem:$0x1A400] =	vst v63  }
0xe8: {  	s10 =	simm.s32 $0x200  }
0xe9: {  	[tilespmem:s11], [sflag:$0x5] =	stream.indirect.gather [hbm4b:s24+s21], $0x80, s10, s21, $0xb8;
	[tilespmem:$0x1A400] =	vst v63  }
0xea: {  	_ =	swait.ge [sflag:s12], $0x4000  }
0xeb: {  	[sflag:s12] =	ssyncset.done $0x0  }
0xec: {  	s14 =	rddreg [dreg:$0x12];
	[sflag:s12] =	ssyncadd.s32 $0xFFFFC000  }
0xed: {  	[hbm4b:s14+s4] =	stream.linear.scatter [tilespmem:s8], [sflag:$0x9], $0x4000, $0x38;
	[tilespmem:$0x1A400] =	vst v63  }
0xee: {  	_ =	swait.ge [sflag:s13], $0x4000  }
0xef: {  	[sflag:s13] =	ssyncset.done $0x0  }
0xf0: {  	s10 =	simm.s32 $0x280;
	[sflag:s13] =	ssyncadd.s32 $0xFFFFC000  }
0xf1: {  	[tilespmem:s0], [sflag:$0x1] =	stream.indirect.gather [hbm4b:s24+s21], $0x80, s10, s21, $0xb8;
	[tilespmem:$0x1A400] =	vst v63  }
0xf2: {  	_ =	swait.ge [sflag:s15], $0x4000  }
0xf3: {  	[sflag:s15] =	ssyncset.done $0x0  }
0xf4: {  	s14 =	rddreg [dreg:$0x13];
	[sflag:s15] =	ssyncadd.s32 $0xFFFFC000  }
0xf5: {  	[hbm4b:s14+s4] =	stream.linear.scatter [tilespmem:s11], [sflag:$0xA], $0x4000, $0x38;
	[tilespmem:$0x1A400] =	vst v63  }
0xf6: {  	_ =	swait.ge [sflag:s16], $0x4000  }
0xf7: {  	[sflag:s16] =	ssyncset.done $0x0  }
0xf8: {  	[sflag:s16] =	ssyncadd.s32 $0xFFFFC000  }
0xf9: {  	[tilespmem:s2], [sflag:$0x2] =	stream.indirect.gather [hbm4b:s24+s21], $0x80, s17, s21, $0xb8;
	[tilespmem:$0x1A400] =	vst v63  }
0xfa: {  	_ =	swait.ge [sflag:s3], $0x4000  }
0xfb: {  	[sflag:s3] =	ssyncset.done $0x0  }
0xfc: {  	[sflag:s3] =	ssyncadd.s32 $0xFFFFC000  }
0xfd: {  	[hbm4b:s30+s1] =	stream.linear.scatter [tilespmem:s0], [sflag:$0x6], $0x4000, $0x38;
	[tilespmem:$0x1A400] =	vst v63  }
0xfe: {  	_ =	swait.ge [sflag:s18], $0x4000  }
0xff: {  	[sflag:s18] =	ssyncset.done $0x0  }
0x100: {  	s10 =	simm.s32 $0x380;
	[sflag:s18] =	ssyncadd.s32 $0xFFFFC000  }
0x101: {  	[tilespmem:s5], [sflag:$0x3] =	stream.indirect.gather [hbm4b:s24+s21], $0x80, s10, s21, $0xb8;
	[tilespmem:$0x1A400] =	vst v63  }
0x102: {  	_ =	swait.ge [sflag:s6], $0x4000  }
0x103: {  	[sflag:s6] =	ssyncset.done $0x0  }
0x104: {  	s14 =	sadd.s32 $0x800, s30;
	[sflag:s6] =	ssyncadd.s32 $0xFFFFC000  }
0x105: {  	[hbm4b:s14+s1] =	stream.linear.scatter [tilespmem:s2], [sflag:$0x7], $0x4000, $0x38;
	[tilespmem:$0x1A400] =	vst v63  }
0x106: {  	_ =	swait.ge [sflag:s19], $0x4000  }
0x107: {  	[sflag:s19] =	ssyncset.done $0x0  }
0x108: {  	s7 =	simm.s32 $0x400;
	[sflag:s19] =	ssyncadd.s32 $0xFFFFC000  }
0x109: {  	[tilespmem:s8], [sflag:$0x4] =	stream.indirect.gather [hbm4b:s24+s21], $0x80, s7, s21, $0xb8;
	[tilespmem:$0x1A400] =	vst v63  }
0x10a: {  	_ =	swait.ge [sflag:s9], $0x4000  }
0x10b: {  	[sflag:s9] =	ssyncset.done $0x0  }
0x10c: {  	s10 =	sadd.s32 $0x1000, s30;
	[sflag:s9] =	ssyncadd.s32 $0xFFFFC000  }
0x10d: {  	[hbm4b:s10+s1] =	stream.linear.scatter [tilespmem:s5], [sflag:$0x8], $0x4000, $0x38;
	[tilespmem:$0x1A400] =	vst v63  }
0x10e: {  	_ =	swait.ge [sflag:s22], $0x4000  }
0x10f: {  	[sflag:s22] =	ssyncset.done $0x0  }
0x110: {  	s14 =	simm.s32 $0x480;
	[sflag:s22] =	ssyncadd.s32 $0xFFFFC000  }
0x111: {  	[tilespmem:s11], [sflag:$0x5] =	stream.indirect.gather [hbm4b:s24+s21], $0x80, s14, s21, $0xb8;
	[tilespmem:$0x1A400] =	vst v63  }
0x112: {  	_ =	swait.ge [sflag:s12], $0x4000  }
0x113: {  	[sflag:s12] =	ssyncset.done $0x0  }
0x114: {  	s7 =	sadd.s32 $0x1800, s30;
	[sflag:s12] =	ssyncadd.s32 $0xFFFFC000  }
0x115: {  	[hbm4b:s7+s1] =	stream.linear.scatter [tilespmem:s8], [sflag:$0x9], $0x4000, $0x38;
	[tilespmem:$0x1A400] =	vst v63  }
0x116: {  	_ =	swait.ge [sflag:s13], $0x4000  }
0x117: {  	[sflag:s13] =	ssyncset.done $0x0  }
0x118: {  	s10 =	simm.s32 $0x500;
	[sflag:s13] =	ssyncadd.s32 $0xFFFFC000  }
0x119: {  	[tilespmem:s0], [sflag:$0x1] =	stream.indirect.gather [hbm4b:s24+s21], $0x80, s10, s21, $0xb8;
	[tilespmem:$0x1A400] =	vst v63  }
0x11a: {  	_ =	swait.ge [sflag:s15], $0x4000  }
0x11b: {  	[sflag:s15] =	ssyncset.done $0x0  }
0x11c: {  	s14 =	sadd.s32 $0x2000, s30;
	[sflag:s15] =	ssyncadd.s32 $0xFFFFC000  }
0x11d: {  	[hbm4b:s14+s1] =	stream.linear.scatter [tilespmem:s11], [sflag:$0xA], $0x4000, $0x38;
	[tilespmem:$0x1A400] =	vst v63  }
0x11e: {  	_ =	swait.ge [sflag:s16], $0x4000  }
0x11f: {  	s4 =	simm.s32 $0xA00;
	[sflag:s16] =	ssyncset.done $0x0  }
0x120: {  	s7 =	sadd.s32 $0x2800, s30;
	s10 =	simm.s32 $0x580;
	[sflag:s16] =	ssyncadd.s32 $0xFFFFC000  }
.LBB2_4:
0x121: {  	[tilespmem:s2], [sflag:$0x2] =	stream.indirect.gather [hbm4b:s24+s21], $0x80, s10, s21, $0xb8;
	[tilespmem:$0x1A400] =	vst v63  }
0x122: {  	s10 =	smov.u32 s4  }
0x123: {  	p0 =	sne.s32 s4, $0x17200;
	s4 =	sadd.s32 $0xA00, s4;
	_ =	swait.ge [sflag:s3], $0x4000  }
0x124: {  	[sflag:s3] =	ssyncset.done $0x0  }
0x125: {  	[sflag:s3] =	ssyncadd.s32 $0xFFFFC000  }
0x126: {  	[hbm4b:s7+s1] =	stream.linear.scatter [tilespmem:s0], [sflag:$0x6], $0x4000, $0x38;
	[tilespmem:$0x1A400] =	vst v63  }
0x127: {  	_ =	swait.ge [sflag:s18], $0x4000  }
0x128: {  	s10 =	sshra.s32 s10, $0x2;
	[sflag:s18] =	ssyncset.done $0x0  }
0x129: {  	s14 =	sadd.s32 $0x380, s10;
	[sflag:s18] =	ssyncadd.s32 $0xFFFFC000  }
0x12a: {  	[tilespmem:s5], [sflag:$0x3] =	stream.indirect.gather [hbm4b:s24+s21], $0x80, s14, s21, $0xb8;
	[tilespmem:$0x1A400] =	vst v63  }
0x12b: {  	_ =	swait.ge [sflag:s6], $0x4000  }
0x12c: {  	[sflag:s6] =	ssyncset.done $0x0  }
0x12d: {  	s14 =	sadd.s32 $0x800, s7;
	[sflag:s6] =	ssyncadd.s32 $0xFFFFC000  }
0x12e: {  	[hbm4b:s14+s1] =	stream.linear.scatter [tilespmem:s2], [sflag:$0x7], $0x4000, $0x38;
	[tilespmem:$0x1A400] =	vst v63  }
0x12f: {  	_ =	swait.ge [sflag:s19], $0x4000  }
0x130: {  	[sflag:s19] =	ssyncset.done $0x0  }
0x131: {  	s14 =	sadd.s32 $0x400, s10;
	[sflag:s19] =	ssyncadd.s32 $0xFFFFC000  }
0x132: {  	[tilespmem:s8], [sflag:$0x4] =	stream.indirect.gather [hbm4b:s24+s21], $0x80, s14, s21, $0xb8;
	[tilespmem:$0x1A400] =	vst v63  }
0x133: {  	_ =	swait.ge [sflag:s9], $0x4000  }
0x134: {  	[sflag:s9] =	ssyncset.done $0x0  }
0x135: {  	s14 =	sadd.s32 $0x1000, s7;
	[sflag:s9] =	ssyncadd.s32 $0xFFFFC000  }
0x136: {  	[hbm4b:s14+s1] =	stream.linear.scatter [tilespmem:s5], [sflag:$0x8], $0x4000, $0x38;
	[tilespmem:$0x1A400] =	vst v63  }
0x137: {  	_ =	swait.ge [sflag:s22], $0x4000  }
0x138: {  	[sflag:s22] =	ssyncset.done $0x0  }
0x139: {  	s14 =	sadd.s32 $0x480, s10;
	[sflag:s22] =	ssyncadd.s32 $0xFFFFC000  }
0x13a: {  	[tilespmem:s11], [sflag:$0x5] =	stream.indirect.gather [hbm4b:s24+s21], $0x80, s14, s21, $0xb8;
	[tilespmem:$0x1A400] =	vst v63  }
0x13b: {  	_ =	swait.ge [sflag:s12], $0x4000  }
0x13c: {  	[sflag:s12] =	ssyncset.done $0x0  }
0x13d: {  	s14 =	sadd.s32 $0x1800, s7;
	[sflag:s12] =	ssyncadd.s32 $0xFFFFC000  }
0x13e: {  	[hbm4b:s14+s1] =	stream.linear.scatter [tilespmem:s8], [sflag:$0x9], $0x4000, $0x38;
	[tilespmem:$0x1A400] =	vst v63  }
0x13f: {  	_ =	swait.ge [sflag:s13], $0x4000  }
0x140: {  	[sflag:s13] =	ssyncset.done $0x0  }
0x141: {  	s14 =	sadd.s32 $0x500, s10;
	[sflag:s13] =	ssyncadd.s32 $0xFFFFC000  }
0x142: {  	[tilespmem:s0], [sflag:$0x1] =	stream.indirect.gather [hbm4b:s24+s21], $0x80, s14, s21, $0xb8;
	[tilespmem:$0x1A400] =	vst v63  }
0x143: {  	_ =	swait.ge [sflag:s15], $0x4000  }
0x144: {  	[sflag:s15] =	ssyncset.done $0x0  }
.Ltmp1:
0x145: {  	s14 =	sadd.s32 $0x2000, s7;
	[sflag:s15] =	ssyncadd.s32 $0xFFFFC000;
	(pc) =	sbr.rel @p0 .LBB2_4-.Ltmp1, $4  }
0x146: {  	[hbm4b:s14+s1] =	stream.linear.scatter [tilespmem:s11], [sflag:$0xA], $0x4000, $0x38;
	[tilespmem:$0x1A400] =	vst v63  }
0x147: {  	_ =	swait.ge [sflag:s16], $0x4000  }
0x148: {  	[sflag:s16] =	ssyncset.done $0x0  }
0x149: {  	s10 =	sadd.s32 $0x580, s10;
	s7 =	sadd.s32 $0x2800, s7;
	[sflag:s16] =	ssyncadd.s32 $0xFFFFC000  }
0x14a: {  	[tilespmem:s2], [sflag:$0x2] =	stream.indirect.gather [hbm4b:s24+s21], $0x80, s10, s21, $0xb8;
	[tilespmem:$0x1A400] =	vst v63  }
0x14b: {  	_ =	swait.ge [sflag:s3], $0x4000  }
0x14c: {  	[sflag:s3] =	ssyncset.done $0x0  }
0x14d: {  	s4 =	rddreg [dreg:$0x14];
	[sflag:s3] =	ssyncadd.s32 $0xFFFFC000  }
0x14e: {  	[hbm4b:s4+s1] =	stream.linear.scatter [tilespmem:s0], [sflag:$0x6], $0x4000, $0x38;
	[tilespmem:$0x1A400] =	vst v63  }
0x14f: {  	_ =	swait.ge [sflag:s18], $0x4000  }
0x150: {  	[sflag:s18] =	ssyncset.done $0x0  }
0x151: {  	[sflag:s18] =	ssyncadd.s32 $0xFFFFC000  }
0x152: {  	[tilespmem:s5], [sflag:$0x3] =	stream.indirect.gather [hbm4b:s24+s21], $0x80, s23, s21, $0xb8;
	[tilespmem:$0x1A400] =	vst v63  }
0x153: {  	_ =	swait.ge [sflag:s6], $0x4000  }
0x154: {  	[sflag:s6] =	ssyncset.done $0x0  }
0x155: {  	s10 =	rddreg [dreg:$0x15];
	[sflag:s6] =	ssyncadd.s32 $0xFFFFC000  }
0x156: {  	[hbm4b:s10+s1] =	stream.linear.scatter [tilespmem:s2], [sflag:$0x7], $0x4000, $0x38;
	[tilespmem:$0x1A400] =	vst v63  }
0x157: {  	_ =	swait.ge [sflag:s19], $0x4000  }
0x158: {  	[sflag:s19] =	ssyncset.done $0x0  }
0x159: {  	[sflag:s19] =	ssyncadd.s32 $0xFFFFC000  }
0x15a: {  	[tilespmem:s8], [sflag:$0x4] =	stream.indirect.gather [hbm4b:s24+s21], $0x80, s25, s21, $0xb8;
	[tilespmem:$0x1A400] =	vst v63  }
0x15b: {  	_ =	swait.ge [sflag:s9], $0x4000  }
0x15c: {  	[sflag:s9] =	ssyncset.done $0x0  }
0x15d: {  	s14 =	rddreg [dreg:$0x16];
	[sflag:s9] =	ssyncadd.s32 $0xFFFFC000  }
0x15e: {  	[hbm4b:s14+s1] =	stream.linear.scatter [tilespmem:s5], [sflag:$0x8], $0x4000, $0x38;
	[tilespmem:$0x1A400] =	vst v63  }
0x15f: {  	_ =	swait.ge [sflag:s22], $0x4000  }
0x160: {  	[sflag:s22] =	ssyncset.done $0x0  }
0x161: {  	[sflag:s22] =	ssyncadd.s32 $0xFFFFC000  }
0x162: {  	[tilespmem:s11], [sflag:$0x5] =	stream.indirect.gather [hbm4b:s24+s21], $0x80, s26, s21, $0xb8;
	[tilespmem:$0x1A400] =	vst v63  }
0x163: {  	_ =	swait.ge [sflag:s12], $0x4000  }
0x164: {  	[sflag:s12] =	ssyncset.done $0x0  }
0x165: {  	s7 =	rddreg [dreg:$0x17];
	[sflag:s12] =	ssyncadd.s32 $0xFFFFC000  }
0x166: {  	[hbm4b:s7+s1] =	stream.linear.scatter [tilespmem:s8], [sflag:$0x9], $0x4000, $0x38;
	[tilespmem:$0x1A400] =	vst v63  }
0x167: {  	_ =	swait.ge [sflag:s13], $0x4000  }
0x168: {  	[sflag:s13] =	ssyncset.done $0x0  }
0x169: {  	[sflag:s13] =	ssyncadd.s32 $0xFFFFC000  }
0x16a: {  	_ =	swait.ge [sflag:s15], $0x4000  }
0x16b: {  	[sflag:s15] =	ssyncset.done $0x0  }
0x16c: {  	s10 =	rddreg [dreg:$0x19];
	[sflag:s15] =	ssyncadd.s32 $0xFFFFC000  }
0x16d: {  	[hbm4b:s10+s1] =	stream.linear.scatter [tilespmem:s11], [sflag:$0xA], $0x4000, $0x38;
	[tilespmem:$0x1A400] =	vst v63  }
0x16e: {  	_ =	swait.ge [sflag:s16], $0x4000  }
0x16f: {  	[sflag:s16] =	ssyncset.done $0x0  }
0x170: {  	[sflag:s16] =	ssyncadd.s32 $0xFFFFC000  }
0x171: {  	_ =	swait.ge [sflag:s18], $0x4000  }
0x172: {  	[sflag:s18] =	ssyncset.done $0x0  }
0x173: {  	[sflag:s18] =	ssyncadd.s32 $0xFFFFC000  }
0x174: {  	_ =	swait.ge [sflag:s19], $0x4000  }
0x175: {  	[sflag:s19] =	ssyncset.done $0x0  }
0x176: {  	[sflag:s19] =	ssyncadd.s32 $0xFFFFC000  }
0x177: {  	_ =	swait.ge [sflag:s22], $0x4000  }
0x178: {  	s28 =	sadd.s32 $0x1, s28;
	s14 =	rddreg [dreg:$0x1c]  }
0x179: {  	p0 =	sne.s32 s28, s14  }
.Ltmp2:
0x17a: {  	_ = 	snop;
	(pc) =	sbr.rel @p0 .LBB2_1-.Ltmp2, $3  }
0x17b: {  	_ =	sdelay $0x1  }
0x17c: {  	[sflag:s22] =	ssyncset.done $0x0  }
0x17d: {  	[sflag:s22] =	ssyncadd.s32 $0xFFFFC000  }
0x17e: {  	_ =	sfence.sel $0x180000  }
0x17f: {  	[bflag:$0x0] =	sbarrier.arrive $0xFFFF  }
0x180: {  	_ =	strace $0x90000047  }
0x181: {  	s0 =	stileid.u32;
	[bflag:$0x2] =	sbarrier.arrive $0xFFFF  }
0x182: {  	p0 =	sne.s32 s0, $0x0;
	s0 =	rddreg [dreg:$0x5]  }
0x183: {  	s0 =	sadd.s32 @!p0 $0x100000, s0  }
0x184: {  	[sflag:s0] =	ssyncadd.tile.s32 @!p0 $0x1;
	_ =	shalt  }
.Lfunc_end2:
_tile_overlayer_lowered:
.L_overlay_start_2:
0x185: {  	(tag) =	ssettag $0x2  }
0x186: {  	s0 =	rddreg [dreg:$0x0];
	s2 =	stileid.u32  }
0x187: {  	s1 =	rddreg [dreg:$0x1];
	p0 =	sne.s32 s2, $0x0  }
0x188: {  	s3 =	rddreg [dreg:$0x2];
	[bflag:$0x3] =	sbarrier.arrive $0xFFFF;
	s2 =	simm.s32 @!p0 $0x1C0B  }
0x189: {  	[timem:s3], [sflag:s2] =	dma.local @!p0 [hbm:s0], s1  }
0x18a: {  	s0 =	simm.s32 @!p0 $0xB  }
0x18b: {  	_ =	swait.ge @!p0 [sflag:s0], s1  }
0x18c: {  	s1 =	ssub.s32 @!p0 $0x0, s1;
	[sflag:s0] =	ssyncset.done @!p0 $0x0  }
0x18d: {  	[sflag:s0] =	ssyncadd.s32 @!p0 s1  }
0x18e: {  	[bflag:$0x3] =	sbarrier.arrive $0xFFFF  }
0x18f: {  	_ =	shalt  }

</sc_bundles>
